<compile_context>
chip_gen: v7x
topology: tpu7x:2x2x1
jax: 0.10.2.dev20260603
libtpu: 0.0.44.dev20260713+nightly
codegen_flags: <defaults>
</compile_context>

<pallas_src>
import functools

import jax
import jax.numpy as jnp
from jax import lax
from jax.experimental import pallas as pl
from jax.experimental.pallas import tpu as pltpu
from jax.experimental.pallas import tpu_sc as plsc

_EMB = 128
_K = 32
_STEP = 256
_NSTEP = 4
_PACK = 128 // _K
_NROWS = _NSTEP * _K + 16


def _lane_gather(vec, idx):
    return lax.gather(
        vec, idx[:, None],
        lax.GatherDimensionNumbers(
            offset_dims=(), collapsed_slice_dims=(0,), start_index_map=(0,)),
        (1,), mode=lax.GatherScatterMode.PROMISE_IN_BOUNDS)


def _eq_mask(a, b):
    d = a - b
    return 1 + ((d | -d) >> 31)


def _sc_gather(node_emb, neighbors2d, path_i32):
    mesh = plsc.VectorSubcoreMesh(core_axis_name="c", subcore_axis_name="s",
                                  num_cores=1, num_subcores=2 * _NSTEP + 1)

    @functools.partial(
        pl.kernel,
        out_type=jax.ShapeDtypeStruct((_NROWS, _EMB), jnp.float32),
        mesh=mesh,
        scratch_types=[
            pltpu.VMEM((16,), jnp.int32),
            pltpu.VMEM((16, _EMB), jnp.int32),
            pltpu.VMEM((16, _EMB), jnp.float32),
            pltpu.SemaphoreType.DMA,
            pltpu.SemaphoreType.DMA,
        ],
    )
    def gather_kernel(emb_hbm, nbrtab_hbm, path_hbm, out_hbm,
                      path_v, nbrrows_v, emb_v, sem_idx, sem_emb):
        wid = lax.axis_index("c") * 16 + lax.axis_index("s")

        @pl.when(wid <= 2 * _NSTEP)
        def _():
            cp_a = pltpu.async_copy(path_hbm.at[pl.ds(0, 8)],
                                    path_v.at[pl.ds(0, 8)], sem_idx)
            cp_b = pltpu.async_copy(path_hbm.at[pl.ds(8, 1)],
                                    path_v.at[pl.ds(8, 1)], sem_idx)
            cp_a.wait()
            cp_b.wait()
            lanes = lax.iota(jnp.int32, 16)
            roots = _lane_gather(path_v[...], jnp.minimum(lanes * 2 + 2, 8))
            w = jnp.minimum(wid >> 1, _NSTEP - 1)
            h = wid & 1
            rw = _lane_gather(roots, jnp.full((16,), w, jnp.int32))
            pltpu.async_copy(nbrtab_hbm.at[rw >> 2], nbrrows_v,
                             sem_idx).wait()
            bb = ((rw & (_PACK - 1)) << 1) + h
            ids = jnp.zeros((16,), jnp.int32)
            for t in range(8):
                ids = ids + nbrrows_v[0, pl.ds(16 * t, 16)] * _eq_mask(bb, t)
            m8 = _eq_mask(wid, 2 * _NSTEP)
            ids = ids * (1 - m8) + roots * m8
            pltpu.async_copy(emb_hbm.at[ids], emb_v, sem_emb).wait()
            pltpu.sync_copy(emb_v, out_hbm.at[pl.ds(wid * 16, 16)])

    return gather_kernel(node_emb, neighbors2d, path_i32)


def _dense_body(g_hbm, wp_hbm, bp_hbm, wk_hbm, wr_hbm, bl_hbm,
                w1_hbm, b1_hbm, w2_hbm, b2_hbm, w3_hbm, b3_hbm, out_ref,
                g_v, wp_v, bp_v, wk_v, wr_v, bl_v, w1_v, b1_v, w2_v, b2_v,
                w3_v, b3_v, sem_a, sem_k, sem_r, sem_1, sem_2, sem_3):
    f32 = jnp.float32

    def dot(a, b):
        return lax.dot_general(a, b, (((1,), (0,)), ((), ())),
                               preferred_element_type=f32,
                               precision=lax.Precision.DEFAULT)

    cp = pltpu.make_async_copy
    cps_a = [cp(g_hbm, g_v, sem_a), cp(wp_hbm, wp_v, sem_a),
             cp(bp_hbm, bp_v, sem_a)]
    for c_ in cps_a:
        c_.start()
    cps_k = [cp(wk_hbm, wk_v, sem_k), cp(bl_hbm, bl_v, sem_k)]
    for c_ in cps_k:
        c_.start()
    cp_r = cp(wr_hbm, wr_v, sem_r)
    cp_r.start()
    cps_1 = [cp(w1_hbm, w1_v, sem_1), cp(b1_hbm, b1_v, sem_1)]
    for c_ in cps_1:
        c_.start()
    cps_2 = [cp(w2_hbm, w2_v, sem_2), cp(b2_hbm, b2_v, sem_2)]
    for c_ in cps_2:
        c_.start()
    cps_3 = [cp(w3_hbm, w3_v, sem_3), cp(b3_hbm, b3_v, sem_3)]
    for c_ in cps_3:
        c_.start()

    for c_ in cps_a:
        c_.wait()
    wp = wp_v[...]
    nbr_p = dot(g_v[:_NSTEP * _K, :], wp[_EMB:])
    self_p = dot(g_v[_NSTEP * _K:_NSTEP * _K + 8, :], wp[:_EMB])
    bp = bp_v[...][None, :]

    sfs = []
    for w in range(_NSTEP):
        blk = nbr_p[_K * w:_K * (w + 1)] + self_p[w][None, :] + bp
        blk = jnp.maximum(blk, 0.0)
        sfs.append(jnp.max(blk, axis=0, keepdims=True))
    sf = jnp.concatenate(sfs, axis=0)

    for c_ in cps_k:
        c_.wait()
    pre = dot(sf, wk_v[...]) + bl_v[...][None, :]
    cp_r.wait()
    wr = wr_v[...]
    h = jnp.zeros((1, _STEP), f32)
    c = jnp.zeros((1, _STEP), f32)
    for i in range(_NSTEP):
        z = pre[i:i + 1] + dot(h, wr)
        zi = z[:, :_STEP]
        zf = z[:, _STEP:2 * _STEP]
        zc = z[:, 2 * _STEP:3 * _STEP]
        zo = z[:, 3 * _STEP:]
        c = jax.nn.sigmoid(zf) * c + jax.nn.sigmoid(zi) * jnp.tanh(zc)
        h = jax.nn.sigmoid(zo) * jnp.tanh(c)

    for c_ in cps_1:
        c_.wait()
    h1 = jnp.maximum(dot(h, w1_v[...]) + b1_v[...][None, :], 0.0)
    for c_ in cps_2:
        c_.wait()
    h2 = jnp.maximum(dot(h1, w2_v[...]) + b2_v[...][None, :], 0.0)
    for c_ in cps_3:
        c_.wait()
    logits = dot(h2, w3_v[...]) + b3_v[...][None, :]
    out_ref[...] = jax.nn.softmax(logits, axis=-1)[0]


def _tc_dense(gathered, W_pool, b_pool, Wk, Wr, b_lstm,
              W1, b1, W2, b2, W3, b3):
    any_spec = pl.BlockSpec(memory_space=pl.ANY)
    return pl.pallas_call(
        _dense_body,
        in_specs=[any_spec] * 12,
        out_shape=jax.ShapeDtypeStruct((2,), jnp.float32),
        scratch_shapes=[
            pltpu.VMEM((_NROWS, _EMB), jnp.float32),
            pltpu.VMEM((2 * _EMB, _STEP), jnp.float32),
            pltpu.VMEM((_STEP,), jnp.float32),
            pltpu.VMEM((_STEP, 4 * _STEP), jnp.float32),
            pltpu.VMEM((_STEP, 4 * _STEP), jnp.float32),
            pltpu.VMEM((4 * _STEP,), jnp.float32),
            pltpu.VMEM((_STEP, _STEP), jnp.float32),
            pltpu.VMEM((_STEP,), jnp.float32),
            pltpu.VMEM((_STEP, _STEP), jnp.float32),
            pltpu.VMEM((_STEP,), jnp.float32),
            pltpu.VMEM((_STEP, 2), jnp.float32),
            pltpu.VMEM((2,), jnp.float32),
            pltpu.SemaphoreType.DMA,
            pltpu.SemaphoreType.DMA,
            pltpu.SemaphoreType.DMA,
            pltpu.SemaphoreType.DMA,
            pltpu.SemaphoreType.DMA,
            pltpu.SemaphoreType.DMA,
        ],
    )(gathered, W_pool, b_pool, Wk, Wr, b_lstm, W1, b1, W2, b2, W3, b3)


def kernel(node_emb, neighbors, path, W_pool, b_pool, Wk, Wr, b_lstm,
           W1, b1, W2, b2, W3, b3):
    nbr2d = neighbors.astype(jnp.int32).reshape(-1, _EMB)
    gathered = _sc_gather(node_emb, nbr2d, path.astype(jnp.int32))
    return _tc_dense(gathered, W_pool, b_pool, Wk, Wr, b_lstm,
                     W1, b1, W2, b2, W3, b3)

# --- scband reference (transcript-rebuilt; emitter-appended) ---
"""Pipeline reference for scband-graph-sagereasoner-71992241816179 (READ-ONLY COPY).

The authoritative reference and input builder live on the scoring server;
editing this copy changes nothing except your own understanding.
"""

import jax, jax.numpy as jnp
import numpy as np

N_NODES = 10000
EMB = 128
K = 32
STEP = 256
MLP = 256
PATH_LEN = 9


def setup_inputs(seed: int = 0) -> dict:
    key = jax.random.key(seed)
    ks = jax.random.split(key, 16)
    inp = {}
    inp["node_emb"] = jax.random.normal(ks[0], (N_NODES, EMB), dtype=jnp.float32)
    inp["neighbors"] = jax.random.randint(ks[1], (N_NODES, K), 0, N_NODES, dtype=jnp.int64)
    inp["path"] = jax.random.randint(ks[2], (PATH_LEN,), 0, N_NODES, dtype=jnp.int64)
    # MaxPooling aggregator params: Dense(2*emb -> step) applied per neighbor, then elementwise max
    inp["W_pool"] = jax.random.normal(ks[3], (2 * EMB, STEP), dtype=jnp.float32) * (1.0 / np.sqrt(2 * EMB))
    inp["b_pool"] = jnp.zeros((STEP,), dtype=jnp.float32)
    # Keras LSTMCell params (gate order: i, f, c, o)
    inp["Wk"] = jax.random.normal(ks[4], (STEP, 4 * STEP), dtype=jnp.float32) * (1.0 / np.sqrt(STEP))
    inp["Wr"] = jax.random.normal(ks[5], (STEP, 4 * STEP), dtype=jnp.float32) * (1.0 / np.sqrt(STEP))
    inp["b_lstm"] = jnp.zeros((4 * STEP,), dtype=jnp.float32)
    # classifier MLP: Dense(mlp_width) relu -> Dense(mlp_width) relu -> Dense(2) softmax
    inp["W1"] = jax.random.normal(ks[6], (STEP, MLP), dtype=jnp.float32) * (1.0 / np.sqrt(STEP))
    inp["b1"] = jnp.zeros((MLP,), dtype=jnp.float32)
    inp["W2"] = jax.random.normal(ks[7], (MLP, MLP), dtype=jnp.float32) * (1.0 / np.sqrt(MLP))
    inp["b2"] = jnp.zeros((MLP,), dtype=jnp.float32)
    inp["W3"] = jax.random.normal(ks[8], (MLP, 2), dtype=jnp.float32) * (1.0 / np.sqrt(MLP))
    inp["b3"] = jnp.zeros((2,), dtype=jnp.float32)
    return inp


def _step_feature(node_emb, neighbors, root, W_pool, b_pool):
    # sample K neighbors of root, gather their embeddings, concat self emb,
    # dense+relu per neighbor, elementwise max-pool over neighbors
    nbr_idx = jnp.take(neighbors, root, axis=0)          # [K]
    nbr_e = jnp.take(node_emb, nbr_idx, axis=0)          # [K, EMB]
    self_e = jnp.take(node_emb, root, axis=0)            # [EMB]
    x = jnp.concatenate([jnp.broadcast_to(self_e[None, :], (K, EMB)), nbr_e], axis=-1)  # [K, 2*EMB]
    h = jnp.maximum(x @ W_pool + b_pool, 0.0)            # [K, STEP]
    return jnp.max(h, axis=0)                            # [STEP]


def reference(node_emb, neighbors, path, W_pool, b_pool, Wk, Wr, b_lstm, W1, b1, W2, b2, W3, b3):
    # initial step feature (used only to size initial LSTM state; state starts at zeros)
    _ = _step_feature(node_emb, neighbors, path[0], W_pool, b_pool)
    h = jnp.zeros((1, STEP), dtype=jnp.float32)
    c = jnp.zeros((1, STEP), dtype=jnp.float32)
    output = h
    for i in range(2, PATH_LEN, 2):
        sf = _step_feature(node_emb, neighbors, path[i], W_pool, b_pool)[None, :]  # [1, STEP]
        z = sf @ Wk + h @ Wr + b_lstm
        zi, zf, zc, zo = jnp.split(z, 4, axis=-1)
        ig = jax.nn.sigmoid(zi)
        fg = jax.nn.sigmoid(zf)
        c = fg * c + ig * jnp.tanh(zc)
        og = jax.nn.sigmoid(zo)
        h = og * jnp.tanh(c)
        output = h
    h1 = jnp.maximum(output @ W1 + b1, 0.0)
    h2 = jnp.maximum(h1 @ W2 + b2, 0.0)
    probs = jax.nn.softmax(h2 @ W3 + b3, axis=-1)
    return probs[0]

if __name__ == "__main__":
    import jax
    _d = setup_inputs()
    print(jax.jit(kernel)(*tuple(_d.values())))

</pallas_src>

<mosaic_0001>
#map = affine_map<(d0, d1) -> (0, 0)>
#map1 = affine_map<(d0, d1) -> (0)>
module attributes {stable_mosaic.version = 14 : i64} {
  func.func @gather_kernel(%arg0: i32, %arg1: i32, %arg2: memref<10000x128xf32, #tpu.memory_space<hbm>>, %arg3: memref<2500x128xi32, #tpu.memory_space<hbm>>, %arg4: memref<9xi32, #tpu.memory_space<hbm>>, %arg5: memref<144x128xf32, #tpu.memory_space<hbm>>, %arg6: memref<16xi32, #tpu.memory_space<vmem>>, %arg7: memref<16x128xi32, #tpu.memory_space<vmem>>, %arg8: memref<16x128xf32, #tpu.memory_space<vmem>>, %arg9: memref<!tpu.dma_semaphore, #tpu.memory_space<semaphore_mem>>, %arg10: memref<!tpu.dma_semaphore, #tpu.memory_space<semaphore_mem>>) attributes {dimension_semantics = [#tpu.dimension_semantics<core_parallel>, #tpu.dimension_semantics<subcore_parallel>], iteration_bounds = array<i64: 1, 9>, scalar_prefetch = 0 : i64, scratch_operands = 5 : i64, tpu.core_type = #tpu.core_type<sc_vector_subcore>, window_params = [{transform_indices = #map}, {transform_indices = #map}, {transform_indices = #map1}, {transform_indices = #map}]} {
    %mul3A = arith.constant 16 : i32
    %mul3A_0 = arith.muli %arg0, %mul3A : i32
    %add3A = arith.addi %mul3A_0, %arg1 : i32
    %le3A = arith.constant 8 : i32
    %le3A_1 = arith.cmpi sle, %add3A, %le3A : i32
    %convert_element_type3A = arith.extui %le3A_1 : i1 to i32
    %cond3A = arith.constant 0 : i32
    %cond3A_2 = arith.cmpi ne, %convert_element_type3A, %cond3A : i32
    scf.if %cond3A_2 {
      %dma_start3A = arith.constant 0 : i32
      %dma_start3A_3 = tpu.memref_slice %arg6[%dma_start3A] : memref<16xi32, #tpu.memory_space<vmem>> -> memref<8xi32, #tpu.memory_space<vmem>>
      %dma_start3A_4 = arith.constant 0 : i32
      %dma_start3A_5 = tpu.memref_slice %arg4[%dma_start3A_4] : memref<9xi32, #tpu.memory_space<hbm>> -> memref<8xi32, #tpu.memory_space<hbm>>
      %dma_start3A_6 = arith.constant 0 : i32
      %dma_start3A_7 = tpu.memref_slice %arg6[%dma_start3A_6] : memref<16xi32, #tpu.memory_space<vmem>> -> memref<8xi32, #tpu.memory_space<vmem>>
      %dma_start3A_8 = arith.constant 0 : i32
      %dma_start3A_9 = tpu.memref_slice %arg4[%dma_start3A_8] : memref<9xi32, #tpu.memory_space<hbm>> -> memref<8xi32, #tpu.memory_space<hbm>>
      tpu.enqueue_dma source(%dma_start3A_9 : memref<8xi32, #tpu.memory_space<hbm>>) target(%dma_start3A_7 : memref<8xi32, #tpu.memory_space<vmem>>) target_semaphore(%arg9 : memref<!tpu.dma_semaphore, #tpu.memory_space<semaphore_mem>>)
      %dma_start3A_10 = arith.constant 8 : i32
      %dma_start3A_11 = tpu.memref_slice %arg6[%dma_start3A_10] : memref<16xi32, #tpu.memory_space<vmem>> -> memref<1xi32, #tpu.memory_space<vmem>>
      %dma_start3A_12 = arith.constant 8 : i32
      %dma_start3A_13 = tpu.memref_slice %arg4[%dma_start3A_12] : memref<9xi32, #tpu.memory_space<hbm>> -> memref<1xi32, #tpu.memory_space<hbm>>
      %dma_start3A_14 = arith.constant 8 : i32
      %dma_start3A_15 = tpu.memref_slice %arg6[%dma_start3A_14] : memref<16xi32, #tpu.memory_space<vmem>> -> memref<1xi32, #tpu.memory_space<vmem>>
      %dma_start3A_16 = arith.constant 8 : i32
      %dma_start3A_17 = tpu.memref_slice %arg4[%dma_start3A_16] : memref<9xi32, #tpu.memory_space<hbm>> -> memref<1xi32, #tpu.memory_space<hbm>>
      tpu.enqueue_dma source(%dma_start3A_17 : memref<1xi32, #tpu.memory_space<hbm>>) target(%dma_start3A_15 : memref<1xi32, #tpu.memory_space<vmem>>) target_semaphore(%arg9 : memref<!tpu.dma_semaphore, #tpu.memory_space<semaphore_mem>>)
      %dma_wait3A = arith.constant 0 : i32
      %dma_wait3A_18 = tpu.memref_slice %arg6[%dma_wait3A] : memref<16xi32, #tpu.memory_space<vmem>> -> memref<8xi32, #tpu.memory_space<vmem>>
      %dma_wait3A_19 = arith.constant 0 : i32
      %dma_wait3A_20 = tpu.memref_slice %arg4[%dma_wait3A_19] : memref<9xi32, #tpu.memory_space<hbm>> -> memref<8xi32, #tpu.memory_space<hbm>>
      %dma_wait3A_21 = arith.constant 0 : i32
      %dma_wait3A_22 = tpu.memref_slice %arg6[%dma_wait3A_21] : memref<16xi32, #tpu.memory_space<vmem>> -> memref<8xi32, #tpu.memory_space<vmem>>
      %dma_wait3A_23 = arith.constant 0 : i32
      %dma_wait3A_24 = tpu.memref_slice %arg4[%dma_wait3A_23] : memref<9xi32, #tpu.memory_space<hbm>> -> memref<8xi32, #tpu.memory_space<hbm>>
      tpu.wait_dma2 semaphore(%arg9 : memref<!tpu.dma_semaphore, #tpu.memory_space<semaphore_mem>>) src(%dma_wait3A_24 : memref<8xi32, #tpu.memory_space<hbm>>) dst(%dma_wait3A_22 : memref<8xi32, #tpu.memory_space<vmem>>)
      %dma_wait3A_25 = arith.constant 8 : i32
      %dma_wait3A_26 = tpu.memref_slice %arg6[%dma_wait3A_25] : memref<16xi32, #tpu.memory_space<vmem>> -> memref<1xi32, #tpu.memory_space<vmem>>
      %dma_wait3A_27 = arith.constant 8 : i32
      %dma_wait3A_28 = tpu.memref_slice %arg4[%dma_wait3A_27] : memref<9xi32, #tpu.memory_space<hbm>> -> memref<1xi32, #tpu.memory_space<hbm>>
      %dma_wait3A_29 = arith.constant 8 : i32
      %dma_wait3A_30 = tpu.memref_slice %arg6[%dma_wait3A_29] : memref<16xi32, #tpu.memory_space<vmem>> -> memref<1xi32, #tpu.memory_space<vmem>>
      %dma_wait3A_31 = arith.constant 8 : i32
      %dma_wait3A_32 = tpu.memref_slice %arg4[%dma_wait3A_31] : memref<9xi32, #tpu.memory_space<hbm>> -> memref<1xi32, #tpu.memory_space<hbm>>
      tpu.wait_dma2 semaphore(%arg9 : memref<!tpu.dma_semaphore, #tpu.memory_space<semaphore_mem>>) src(%dma_wait3A_32 : memref<1xi32, #tpu.memory_space<hbm>>) dst(%dma_wait3A_30 : memref<1xi32, #tpu.memory_space<vmem>>)
      %iota3A = tpu.iota {dimensions = array<i32: 0>} : vector<16xi32>
      %get3A = arith.constant 0 : index
      %get3A_33 = tpu.vector_load %arg6[%get3A] {strides = array<i32>} : memref<16xi32, #tpu.memory_space<vmem>>, vector<16xi32>,
      %get3A_34 = vector.shape_cast %get3A_33 : vector<16xi32> to vector<16xi32>
      %mul3A_35 = arith.constant 2 : i32
      %mul3A_36 = vector.broadcast %mul3A_35 : i32 to vector<16xi32>
      %mul3A_37 = arith.muli %iota3A, %mul3A_36 : vector<16xi32>
      %add3A_38 = arith.constant 2 : i32
      %add3A_39 = vector.broadcast %add3A_38 : i32 to vector<16xi32>
      %add3A_40 = arith.addi %mul3A_37, %add3A_39 : vector<16xi32>
      %min3A = arith.constant 8 : i32
      %min3A_41 = vector.broadcast %min3A : i32 to vector<16xi32>
      %min3A_42 = arith.minsi %add3A_40, %min3A_41 : vector<16xi32>
      %broadcast_in_dim3A = vector.shape_cast %min3A_42 : vector<16xi32> to vector<16x1xi32>
      %gather3A = vector.shape_cast %broadcast_in_dim3A : vector<16x1xi32> to vector<16xi32>
      %gather3A_43 = tpu.dynamic_gather %get3A_34[%gather3A] in [0] : vector<16xi32>, vector<16xi32> -> vector<16xi32>
      %shift_right_arithmetic3A = arith.constant 1 : i32
      %shift_right_arithmetic3A_44 = arith.shrsi %add3A, %shift_right_arithmetic3A : i32
      %min3A_45 = arith.constant 3 : i32
      %min3A_46 = arith.minsi %shift_right_arithmetic3A_44, %min3A_45 : i32
      %and3A = arith.constant 1 : i32
      %and3A_47 = arith.andi %add3A, %and3A : i32
      %broadcast_in_dim3A_48 = vector.broadcast %min3A_46 : i32 to vector<16xi32>
      %broadcast_in_dim3A_49 = vector.shape_cast %broadcast_in_dim3A_48 : vector<16xi32> to vector<16x1xi32>
      %gather3A_50 = vector.shape_cast %broadcast_in_dim3A_49 : vector<16x1xi32> to vector<16xi32>
      %gather3A_51 = tpu.dynamic_gather %gather3A_43[%gather3A_50] in [0] : vector<16xi32>, vector<16xi32> -> vector<16xi32>
      %shift_right_arithmetic3A_52 = arith.constant 2 : i32
      %shift_right_arithmetic3A_53 = vector.broadcast %shift_right_arithmetic3A_52 : i32 to vector<16xi32>
      %shift_right_arithmetic3A_54 = arith.shrsi %gather3A_51, %shift_right_arithmetic3A_53 : vector<16xi32>
      %dma_start3A_55 = arith.constant 0 : i32
      %dma_start3A_56 = arith.constant 0 : i32
      %dma_start3A_57 = tpu.memref_slice %arg3[%dma_start3A_55, %dma_start3A_56] : memref<2500x128xi32, #tpu.memory_space<hbm>> -> memref<2500x128xi32, #tpu.memory_space<hbm>>
      tpu.enqueue_indirect_dma source(%dma_start3A_57 : memref<2500x128xi32, #tpu.memory_space<hbm>>) target(%arg7 : memref<16x128xi32, #tpu.memory_space<vmem>>) offsets(%shift_right_arithmetic3A_54 : vector<16xi32>) semaphore(%arg9 : memref<!tpu.dma_semaphore, #tpu.memory_space<semaphore_mem>>)
      %dma_wait3A_58 = arith.constant 0 : i32
      %dma_wait3A_59 = arith.constant 0 : i32
      %dma_wait3A_60 = tpu.memref_slice %arg3[%dma_wait3A_58, %dma_wait3A_59] : memref<2500x128xi32, #tpu.memory_space<hbm>> -> memref<2500x128xi32, #tpu.memory_space<hbm>>
      tpu.wait_indirect_dma semaphore(%arg9 : memref<!tpu.dma_semaphore, #tpu.memory_space<semaphore_mem>>) src(%dma_wait3A_60 : memref<2500x128xi32, #tpu.memory_space<hbm>>) dst(%arg7 : memref<16x128xi32, #tpu.memory_space<vmem>>)
      %and3A_61 = arith.constant 3 : i32
      %and3A_62 = vector.broadcast %and3A_61 : i32 to vector<16xi32>
      %and3A_63 = arith.andi %gather3A_51, %and3A_62 : vector<16xi32>
      %shift_left3A = arith.constant 1 : i32
      %shift_left3A_64 = vector.broadcast %shift_left3A : i32 to vector<16xi32>
      %shift_left3A_65 = arith.shli %and3A_63, %shift_left3A_64 : vector<16xi32>
      %add3A_66 = vector.broadcast %and3A_47 : i32 to vector<16xi32>
      %add3A_67 = arith.addi %shift_left3A_65, %add3A_66 : vector<16xi32>
      %broadcast_in_dim3A_68 = arith.constant 0 : i32
      %broadcast_in_dim3A_69 = vector.broadcast %broadcast_in_dim3A_68 : i32 to vector<16xi32>
      %get3A_70 = arith.constant 0 : i32
      %get3A_71 = arith.index_cast %get3A_70 : i32 to index
      %get3A_72 = arith.constant 0 : index
      %get3A_73 = tpu.vector_load %arg7[%get3A_71, %get3A_72] {strides = array<i32>} : memref<16x128xi32, #tpu.memory_space<vmem>>, vector<1x16xi32>,
      %get3A_74 = vector.shape_cast %get3A_73 : vector<1x16xi32> to vector<16xi32>
      %sub3A = arith.constant 0 : i32
      %sub3A_75 = vector.broadcast %sub3A : i32 to vector<16xi32>
      %sub3A_76 = arith.subi %add3A_67, %sub3A_75 : vector<16xi32>
      %neg3A = arith.constant 0 : i32
      %neg3A_77 = vector.broadcast %neg3A : i32 to vector<16xi32>
      %neg3A_78 = arith.subi %neg3A_77, %sub3A_76 : vector<16xi32>
      %or3A = arith.ori %sub3A_76, %neg3A_78 : vector<16xi32>
      %shift_right_arithmetic3A_79 = arith.constant 31 : i32
      %shift_right_arithmetic3A_80 = vector.broadcast %shift_right_arithmetic3A_79 : i32 to vector<16xi32>
      %shift_right_arithmetic3A_81 = arith.shrsi %or3A, %shift_right_arithmetic3A_80 : vector<16xi32>
      %add3A_82 = arith.constant 1 : i32
      %add3A_83 = vector.broadcast %add3A_82 : i32 to vector<16xi32>
      %add3A_84 = arith.addi %add3A_83, %shift_right_arithmetic3A_81 : vector<16xi32>
      %mul3A_85 = arith.muli %get3A_74, %add3A_84 : vector<16xi32>
      %add3A_86 = arith.addi %broadcast_in_dim3A_69, %mul3A_85 : vector<16xi32>
      %get3A_87 = arith.constant 0 : i32
      %get3A_88 = arith.index_cast %get3A_87 : i32 to index
      %get3A_89 = arith.constant 16 : index
      %get3A_90 = tpu.vector_load %arg7[%get3A_88, %get3A_89] {strides = array<i32>} : memref<16x128xi32, #tpu.memory_space<vmem>>, vector<1x16xi32>,
      %get3A_91 = vector.shape_cast %get3A_90 : vector<1x16xi32> to vector<16xi32>
      %sub3A_92 = arith.constant 1 : i32
      %sub3A_93 = vector.broadcast %sub3A_92 : i32 to vector<16xi32>
      %sub3A_94 = arith.subi %add3A_67, %sub3A_93 : vector<16xi32>
      %neg3A_95 = arith.constant 0 : i32
      %neg3A_96 = vector.broadcast %neg3A_95 : i32 to vector<16xi32>
      %neg3A_97 = arith.subi %neg3A_96, %sub3A_94 : vector<16xi32>
      %or3A_98 = arith.ori %sub3A_94, %neg3A_97 : vector<16xi32>
      %shift_right_arithmetic3A_99 = arith.constant 31 : i32
      %shift_right_arithmetic3A_100 = vector.broadcast %shift_right_arithmetic3A_99 : i32 to vector<16xi32>
      %shift_right_arithmetic3A_101 = arith.shrsi %or3A_98, %shift_right_arithmetic3A_100 : vector<16xi32>
      %add3A_102 = arith.constant 1 : i32
      %add3A_103 = vector.broadcast %add3A_102 : i32 to vector<16xi32>
      %add3A_104 = arith.addi %add3A_103, %shift_right_arithmetic3A_101 : vector<16xi32>
      %mul3A_105 = arith.muli %get3A_91, %add3A_104 : vector<16xi32>
      %add3A_106 = arith.addi %add3A_86, %mul3A_105 : vector<16xi32>
      %get3A_107 = arith.constant 0 : i32
      %get3A_108 = arith.index_cast %get3A_107 : i32 to index
      %get3A_109 = arith.constant 32 : index
      %get3A_110 = tpu.vector_load %arg7[%get3A_108, %get3A_109] {strides = array<i32>} : memref<16x128xi32, #tpu.memory_space<vmem>>, vector<1x16xi32>,
      %get3A_111 = vector.shape_cast %get3A_110 : vector<1x16xi32> to vector<16xi32>
      %sub3A_112 = arith.constant 2 : i32
      %sub3A_113 = vector.broadcast %sub3A_112 : i32 to vector<16xi32>
      %sub3A_114 = arith.subi %add3A_67, %sub3A_113 : vector<16xi32>
      %neg3A_115 = arith.constant 0 : i32
      %neg3A_116 = vector.broadcast %neg3A_115 : i32 to vector<16xi32>
      %neg3A_117 = arith.subi %neg3A_116, %sub3A_114 : vector<16xi32>
      %or3A_118 = arith.ori %sub3A_114, %neg3A_117 : vector<16xi32>
      %shift_right_arithmetic3A_119 = arith.constant 31 : i32
      %shift_right_arithmetic3A_120 = vector.broadcast %shift_right_arithmetic3A_119 : i32 to vector<16xi32>
      %shift_right_arithmetic3A_121 = arith.shrsi %or3A_118, %shift_right_arithmetic3A_120 : vector<16xi32>
      %add3A_122 = arith.constant 1 : i32
      %add3A_123 = vector.broadcast %add3A_122 : i32 to vector<16xi32>
      %add3A_124 = arith.addi %add3A_123, %shift_right_arithmetic3A_121 : vector<16xi32>
      %mul3A_125 = arith.muli %get3A_111, %add3A_124 : vector<16xi32>
      %add3A_126 = arith.addi %add3A_106, %mul3A_125 : vector<16xi32>
      %get3A_127 = arith.constant 0 : i32
      %get3A_128 = arith.index_cast %get3A_127 : i32 to index
      %get3A_129 = arith.constant 48 : index
      %get3A_130 = tpu.vector_load %arg7[%get3A_128, %get3A_129] {strides = array<i32>} : memref<16x128xi32, #tpu.memory_space<vmem>>, vector<1x16xi32>,
      %get3A_131 = vector.shape_cast %get3A_130 : vector<1x16xi32> to vector<16xi32>
      %sub3A_132 = arith.constant 3 : i32
      %sub3A_133 = vector.broadcast %sub3A_132 : i32 to vector<16xi32>
      %sub3A_134 = arith.subi %add3A_67, %sub3A_133 : vector<16xi32>
      %neg3A_135 = arith.constant 0 : i32
      %neg3A_136 = vector.broadcast %neg3A_135 : i32 to vector<16xi32>
      %neg3A_137 = arith.subi %neg3A_136, %sub3A_134 : vector<16xi32>
      %or3A_138 = arith.ori %sub3A_134, %neg3A_137 : vector<16xi32>
      %shift_right_arithmetic3A_139 = arith.constant 31 : i32
      %shift_right_arithmetic3A_140 = vector.broadcast %shift_right_arithmetic3A_139 : i32 to vector<16xi32>
      %shift_right_arithmetic3A_141 = arith.shrsi %or3A_138, %shift_right_arithmetic3A_140 : vector<16xi32>
      %add3A_142 = arith.constant 1 : i32
      %add3A_143 = vector.broadcast %add3A_142 : i32 to vector<16xi32>
      %add3A_144 = arith.addi %add3A_143, %shift_right_arithmetic3A_141 : vector<16xi32>
      %mul3A_145 = arith.muli %get3A_131, %add3A_144 : vector<16xi32>
      %add3A_146 = arith.addi %add3A_126, %mul3A_145 : vector<16xi32>
      %get3A_147 = arith.constant 0 : i32
      %get3A_148 = arith.index_cast %get3A_147 : i32 to index
      %get3A_149 = arith.constant 64 : index
      %get3A_150 = tpu.vector_load %arg7[%get3A_148, %get3A_149] {strides = array<i32>} : memref<16x128xi32, #tpu.memory_space<vmem>>, vector<1x16xi32>,
      %get3A_151 = vector.shape_cast %get3A_150 : vector<1x16xi32> to vector<16xi32>
      %sub3A_152 = arith.constant 4 : i32
      %sub3A_153 = vector.broadcast %sub3A_152 : i32 to vector<16xi32>
      %sub3A_154 = arith.subi %add3A_67, %sub3A_153 : vector<16xi32>
      %neg3A_155 = arith.constant 0 : i32
      %neg3A_156 = vector.broadcast %neg3A_155 : i32 to vector<16xi32>
      %neg3A_157 = arith.subi %neg3A_156, %sub3A_154 : vector<16xi32>
      %or3A_158 = arith.ori %sub3A_154, %neg3A_157 : vector<16xi32>
      %shift_right_arithmetic3A_159 = arith.constant 31 : i32
      %shift_right_arithmetic3A_160 = vector.broadcast %shift_right_arithmetic3A_159 : i32 to vector<16xi32>
      %shift_right_arithmetic3A_161 = arith.shrsi %or3A_158, %shift_right_arithmetic3A_160 : vector<16xi32>
      %add3A_162 = arith.constant 1 : i32
      %add3A_163 = vector.broadcast %add3A_162 : i32 to vector<16xi32>
      %add3A_164 = arith.addi %add3A_163, %shift_right_arithmetic3A_161 : vector<16xi32>
      %mul3A_165 = arith.muli %get3A_151, %add3A_164 : vector<16xi32>
      %add3A_166 = arith.addi %add3A_146, %mul3A_165 : vector<16xi32>
      %get3A_167 = arith.constant 0 : i32
      %get3A_168 = arith.index_cast %get3A_167 : i32 to index
      %get3A_169 = arith.constant 80 : index
      %get3A_170 = tpu.vector_load %arg7[%get3A_168, %get3A_169] {strides = array<i32>} : memref<16x128xi32, #tpu.memory_space<vmem>>, vector<1x16xi32>,
      %get3A_171 = vector.shape_cast %get3A_170 : vector<1x16xi32> to vector<16xi32>
      %sub3A_172 = arith.constant 5 : i32
      %sub3A_173 = vector.broadcast %sub3A_172 : i32 to vector<16xi32>
      %sub3A_174 = arith.subi %add3A_67, %sub3A_173 : vector<16xi32>
      %neg3A_175 = arith.constant 0 : i32
      %neg3A_176 = vector.broadcast %neg3A_175 : i32 to vector<16xi32>
      %neg3A_177 = arith.subi %neg3A_176, %sub3A_174 : vector<16xi32>
      %or3A_178 = arith.ori %sub3A_174, %neg3A_177 : vector<16xi32>
      %shift_right_arithmetic3A_179 = arith.constant 31 : i32
      %shift_right_arithmetic3A_180 = vector.broadcast %shift_right_arithmetic3A_179 : i32 to vector<16xi32>
      %shift_right_arithmetic3A_181 = arith.shrsi %or3A_178, %shift_right_arithmetic3A_180 : vector<16xi32>
      %add3A_182 = arith.constant 1 : i32
      %add3A_183 = vector.broadcast %add3A_182 : i32 to vector<16xi32>
      %add3A_184 = arith.addi %add3A_183, %shift_right_arithmetic3A_181 : vector<16xi32>
      %mul3A_185 = arith.muli %get3A_171, %add3A_184 : vector<16xi32>
      %add3A_186 = arith.addi %add3A_166, %mul3A_185 : vector<16xi32>
      %get3A_187 = arith.constant 0 : i32
      %get3A_188 = arith.index_cast %get3A_187 : i32 to index
      %get3A_189 = arith.constant 96 : index
      %get3A_190 = tpu.vector_load %arg7[%get3A_188, %get3A_189] {strides = array<i32>} : memref<16x128xi32, #tpu.memory_space<vmem>>, vector<1x16xi32>,
      %get3A_191 = vector.shape_cast %get3A_190 : vector<1x16xi32> to vector<16xi32>
      %sub3A_192 = arith.constant 6 : i32
      %sub3A_193 = vector.broadcast %sub3A_192 : i32 to vector<16xi32>
      %sub3A_194 = arith.subi %add3A_67, %sub3A_193 : vector<16xi32>
      %neg3A_195 = arith.constant 0 : i32
      %neg3A_196 = vector.broadcast %neg3A_195 : i32 to vector<16xi32>
      %neg3A_197 = arith.subi %neg3A_196, %sub3A_194 : vector<16xi32>
      %or3A_198 = arith.ori %sub3A_194, %neg3A_197 : vector<16xi32>
      %shift_right_arithmetic3A_199 = arith.constant 31 : i32
      %shift_right_arithmetic3A_200 = vector.broadcast %shift_right_arithmetic3A_199 : i32 to vector<16xi32>
      %shift_right_arithmetic3A_201 = arith.shrsi %or3A_198, %shift_right_arithmetic3A_200 : vector<16xi32>
      %add3A_202 = arith.constant 1 : i32
      %add3A_203 = vector.broadcast %add3A_202 : i32 to vector<16xi32>
      %add3A_204 = arith.addi %add3A_203, %shift_right_arithmetic3A_201 : vector<16xi32>
      %mul3A_205 = arith.muli %get3A_191, %add3A_204 : vector<16xi32>
      %add3A_206 = arith.addi %add3A_186, %mul3A_205 : vector<16xi32>
      %get3A_207 = arith.constant 0 : i32
      %get3A_208 = arith.index_cast %get3A_207 : i32 to index
      %get3A_209 = arith.constant 112 : index
      %get3A_210 = tpu.vector_load %arg7[%get3A_208, %get3A_209] {strides = array<i32>} : memref<16x128xi32, #tpu.memory_space<vmem>>, vector<1x16xi32>,
      %get3A_211 = vector.shape_cast %get3A_210 : vector<1x16xi32> to vector<16xi32>
      %sub3A_212 = arith.constant 7 : i32
      %sub3A_213 = vector.broadcast %sub3A_212 : i32 to vector<16xi32>
      %sub3A_214 = arith.subi %add3A_67, %sub3A_213 : vector<16xi32>
      %neg3A_215 = arith.constant 0 : i32
      %neg3A_216 = vector.broadcast %neg3A_215 : i32 to vector<16xi32>
      %neg3A_217 = arith.subi %neg3A_216, %sub3A_214 : vector<16xi32>
      %or3A_218 = arith.ori %sub3A_214, %neg3A_217 : vector<16xi32>
      %shift_right_arithmetic3A_219 = arith.constant 31 : i32
      %shift_right_arithmetic3A_220 = vector.broadcast %shift_right_arithmetic3A_219 : i32 to vector<16xi32>
      %shift_right_arithmetic3A_221 = arith.shrsi %or3A_218, %shift_right_arithmetic3A_220 : vector<16xi32>
      %add3A_222 = arith.constant 1 : i32
      %add3A_223 = vector.broadcast %add3A_222 : i32 to vector<16xi32>
      %add3A_224 = arith.addi %add3A_223, %shift_right_arithmetic3A_221 : vector<16xi32>
      %mul3A_225 = arith.muli %get3A_211, %add3A_224 : vector<16xi32>
      %add3A_226 = arith.addi %add3A_206, %mul3A_225 : vector<16xi32>
      %sub3A_227 = arith.constant 8 : i32
      %sub3A_228 = arith.subi %add3A, %sub3A_227 : i32
      %neg3A_229 = arith.constant 0 : i32
      %neg3A_230 = arith.subi %neg3A_229, %sub3A_228 : i32
      %or3A_231 = arith.ori %sub3A_228, %neg3A_230 : i32
      %shift_right_arithmetic3A_232 = arith.constant 31 : i32
      %shift_right_arithmetic3A_233 = arith.shrsi %or3A_231, %shift_right_arithmetic3A_232 : i32
      %add3A_234 = arith.constant 1 : i32
      %add3A_235 = arith.addi %add3A_234, %shift_right_arithmetic3A_233 : i32
      %sub3A_236 = arith.constant 1 : i32
      %sub3A_237 = arith.subi %sub3A_236, %add3A_235 : i32
      %mul3A_238 = vector.broadcast %sub3A_237 : i32 to vector<16xi32>
      %mul3A_239 = arith.muli %add3A_226, %mul3A_238 : vector<16xi32>
      %mul3A_240 = vector.broadcast %add3A_235 : i32 to vector<16xi32>
      %mul3A_241 = arith.muli %gather3A_43, %mul3A_240 : vector<16xi32>
      %add3A_242 = arith.addi %mul3A_239, %mul3A_241 : vector<16xi32>
      %dma_start3A_243 = arith.constant 0 : i32
      %dma_start3A_244 = arith.constant 0 : i32
      %dma_start3A_245 = tpu.memref_slice %arg2[%dma_start3A_243, %dma_start3A_244] : memref<10000x128xf32, #tpu.memory_space<hbm>> -> memref<10000x128xf32, #tpu.memory_space<hbm>>
      tpu.enqueue_indirect_dma source(%dma_start3A_245 : memref<10000x128xf32, #tpu.memory_space<hbm>>) target(%arg8 : memref<16x128xf32, #tpu.memory_space<vmem>>) offsets(%add3A_242 : vector<16xi32>) semaphore(%arg10 : memref<!tpu.dma_semaphore, #tpu.memory_space<semaphore_mem>>)
      %dma_wait3A_246 = arith.constant 0 : i32
      %dma_wait3A_247 = arith.constant 0 : i32
      %dma_wait3A_248 = tpu.memref_slice %arg2[%dma_wait3A_246, %dma_wait3A_247] : memref<10000x128xf32, #tpu.memory_space<hbm>> -> memref<10000x128xf32, #tpu.memory_space<hbm>>
      tpu.wait_indirect_dma semaphore(%arg10 : memref<!tpu.dma_semaphore, #tpu.memory_space<semaphore_mem>>) src(%dma_wait3A_248 : memref<10000x128xf32, #tpu.memory_space<hbm>>) dst(%arg8 : memref<16x128xf32, #tpu.memory_space<vmem>>)
      %mul3A_249 = arith.constant 16 : i32
      %mul3A_250 = arith.muli %add3A, %mul3A_249 : i32
      "tpu.region"() ({
        %run_scoped3A = tpu.sem_alloc : memref<!tpu.dma_semaphore, #tpu.memory_space<semaphore_mem>>
        %dma_start3A_251 = arith.constant 0 : i32
        %dma_start3A_252 = tpu.memref_slice %arg5[%mul3A_250, %dma_start3A_251] : memref<144x128xf32, #tpu.memory_space<hbm>> -> memref<16x128xf32, #tpu.memory_space<hbm>>
        %dma_start3A_253 = arith.constant 0 : i32
        %dma_start3A_254 = tpu.memref_slice %arg5[%mul3A_250, %dma_start3A_253] : memref<144x128xf32, #tpu.memory_space<hbm>> -> memref<16x128xf32, #tpu.memory_space<hbm>>
        tpu.enqueue_dma source(%arg8 : memref<16x128xf32, #tpu.memory_space<vmem>>) target(%dma_start3A_254 : memref<16x128xf32, #tpu.memory_space<hbm>>) target_semaphore(%run_scoped3A : memref<!tpu.dma_semaphore, #tpu.memory_space<semaphore_mem>>)
        %dma_wait3A_255 = arith.constant 0 : i32
        %dma_wait3A_256 = tpu.memref_slice %arg5[%mul3A_250, %dma_wait3A_255] : memref<144x128xf32, #tpu.memory_space<hbm>> -> memref<16x128xf32, #tpu.memory_space<hbm>>
        %dma_wait3A_257 = arith.constant 0 : i32
        %dma_wait3A_258 = tpu.memref_slice %arg5[%mul3A_250, %dma_wait3A_257] : memref<144x128xf32, #tpu.memory_space<hbm>> -> memref<16x128xf32, #tpu.memory_space<hbm>>
        tpu.wait_dma2 semaphore(%run_scoped3A : memref<!tpu.dma_semaphore, #tpu.memory_space<semaphore_mem>>) src(%arg8 : memref<16x128xf32, #tpu.memory_space<vmem>>) dst(%dma_wait3A_258 : memref<16x128xf32, #tpu.memory_space<hbm>>)
        tpu.yield
      }) : () -> ()
    } else {
    }
    return
  }
}

module attributes {stable_mosaic.version = 14 : i64} {
  func.func @_dense_body(%arg0: memref<144x128xf32, #tpu.memory_space<any>>, %arg1: memref<256x256xf32, #tpu.memory_space<any>>, %arg2: memref<256xf32, #tpu.memory_space<any>>, %arg3: memref<256x1024xf32, #tpu.memory_space<any>>, %arg4: memref<256x1024xf32, #tpu.memory_space<any>>, %arg5: memref<1024xf32, #tpu.memory_space<any>>, %arg6: memref<256x256xf32, #tpu.memory_space<any>>, %arg7: memref<256xf32, #tpu.memory_space<any>>, %arg8: memref<256x256xf32, #tpu.memory_space<any>>, %arg9: memref<256xf32, #tpu.memory_space<any>>, %arg10: memref<256x2xf32, #tpu.memory_space<any>>, %arg11: memref<2xf32, #tpu.memory_space<any>>, %arg12: memref<2xf32, #tpu.memory_space<vmem>>, %arg13: memref<144x128xf32, #tpu.memory_space<vmem>>, %arg14: memref<256x256xf32, #tpu.memory_space<vmem>>, %arg15: memref<256xf32, #tpu.memory_space<vmem>>, %arg16: memref<256x1024xf32, #tpu.memory_space<vmem>>, %arg17: memref<256x1024xf32, #tpu.memory_space<vmem>>, %arg18: memref<1024xf32, #tpu.memory_space<vmem>>, %arg19: memref<256x256xf32, #tpu.memory_space<vmem>>, %arg20: memref<256xf32, #tpu.memory_space<vmem>>, %arg21: memref<256x256xf32, #tpu.memory_space<vmem>>, %arg22: memref<256xf32, #tpu.memory_space<vmem>>, %arg23: memref<256x2xf32, #tpu.memory_space<vmem>>, %arg24: memref<2xf32, #tpu.memory_space<vmem>>, %arg25: memref<!tpu.dma_semaphore, #tpu.memory_space<semaphore_mem>>, %arg26: memref<!tpu.dma_semaphore, #tpu.memory_space<semaphore_mem>>, %arg27: memref<!tpu.dma_semaphore, #tpu.memory_space<semaphore_mem>>, %arg28: memref<!tpu.dma_semaphore, #tpu.memory_space<semaphore_mem>>, %arg29: memref<!tpu.dma_semaphore, #tpu.memory_space<semaphore_mem>>, %arg30: memref<!tpu.dma_semaphore, #tpu.memory_space<semaphore_mem>>) attributes {dimension_semantics = [], scalar_prefetch = 0 : i64, scratch_operands = 18 : i64, tpu.core_type = #tpu.core_type<tc>} {
    tpu.enqueue_dma source(%arg0 : memref<144x128xf32, #tpu.memory_space<any>>) target(%arg13 : memref<144x128xf32, #tpu.memory_space<vmem>>) target_semaphore(%arg25 : memref<!tpu.dma_semaphore, #tpu.memory_space<semaphore_mem>>)
    tpu.enqueue_dma source(%arg1 : memref<256x256xf32, #tpu.memory_space<any>>) target(%arg14 : memref<256x256xf32, #tpu.memory_space<vmem>>) target_semaphore(%arg25 : memref<!tpu.dma_semaphore, #tpu.memory_space<semaphore_mem>>)
    tpu.enqueue_dma source(%arg2 : memref<256xf32, #tpu.memory_space<any>>) target(%arg15 : memref<256xf32, #tpu.memory_space<vmem>>) target_semaphore(%arg25 : memref<!tpu.dma_semaphore, #tpu.memory_space<semaphore_mem>>)
    tpu.enqueue_dma source(%arg3 : memref<256x1024xf32, #tpu.memory_space<any>>) target(%arg16 : memref<256x1024xf32, #tpu.memory_space<vmem>>) target_semaphore(%arg26 : memref<!tpu.dma_semaphore, #tpu.memory_space<semaphore_mem>>)
    tpu.enqueue_dma source(%arg5 : memref<1024xf32, #tpu.memory_space<any>>) target(%arg18 : memref<1024xf32, #tpu.memory_space<vmem>>) target_semaphore(%arg26 : memref<!tpu.dma_semaphore, #tpu.memory_space<semaphore_mem>>)
    tpu.enqueue_dma source(%arg4 : memref<256x1024xf32, #tpu.memory_space<any>>) target(%arg17 : memref<256x1024xf32, #tpu.memory_space<vmem>>) target_semaphore(%arg27 : memref<!tpu.dma_semaphore, #tpu.memory_space<semaphore_mem>>)
    tpu.enqueue_dma source(%arg6 : memref<256x256xf32, #tpu.memory_space<any>>) target(%arg19 : memref<256x256xf32, #tpu.memory_space<vmem>>) target_semaphore(%arg28 : memref<!tpu.dma_semaphore, #tpu.memory_space<semaphore_mem>>)
    tpu.enqueue_dma source(%arg7 : memref<256xf32, #tpu.memory_space<any>>) target(%arg20 : memref<256xf32, #tpu.memory_space<vmem>>) target_semaphore(%arg28 : memref<!tpu.dma_semaphore, #tpu.memory_space<semaphore_mem>>)
    tpu.enqueue_dma source(%arg8 : memref<256x256xf32, #tpu.memory_space<any>>) target(%arg21 : memref<256x256xf32, #tpu.memory_space<vmem>>) target_semaphore(%arg29 : memref<!tpu.dma_semaphore, #tpu.memory_space<semaphore_mem>>)
    tpu.enqueue_dma source(%arg9 : memref<256xf32, #tpu.memory_space<any>>) target(%arg22 : memref<256xf32, #tpu.memory_space<vmem>>) target_semaphore(%arg29 : memref<!tpu.dma_semaphore, #tpu.memory_space<semaphore_mem>>)
    tpu.enqueue_dma source(%arg10 : memref<256x2xf32, #tpu.memory_space<any>>) target(%arg23 : memref<256x2xf32, #tpu.memory_space<vmem>>) target_semaphore(%arg30 : memref<!tpu.dma_semaphore, #tpu.memory_space<semaphore_mem>>)
    tpu.enqueue_dma source(%arg11 : memref<2xf32, #tpu.memory_space<any>>) target(%arg24 : memref<2xf32, #tpu.memory_space<vmem>>) target_semaphore(%arg30 : memref<!tpu.dma_semaphore, #tpu.memory_space<semaphore_mem>>)
    tpu.wait_dma2 semaphore(%arg25 : memref<!tpu.dma_semaphore, #tpu.memory_space<semaphore_mem>>) src(%arg0 : memref<144x128xf32, #tpu.memory_space<any>>) dst(%arg13 : memref<144x128xf32, #tpu.memory_space<vmem>>)
    tpu.wait_dma2 semaphore(%arg25 : memref<!tpu.dma_semaphore, #tpu.memory_space<semaphore_mem>>) src(%arg1 : memref<256x256xf32, #tpu.memory_space<any>>) dst(%arg14 : memref<256x256xf32, #tpu.memory_space<vmem>>)
    tpu.wait_dma2 semaphore(%arg25 : memref<!tpu.dma_semaphore, #tpu.memory_space<semaphore_mem>>) src(%arg2 : memref<256xf32, #tpu.memory_space<any>>) dst(%arg15 : memref<256xf32, #tpu.memory_space<vmem>>)
    %get3A = arith.constant 0 : index
    %get3A_0 = arith.constant 0 : index
    %get3A_1 = vector.load %arg14[%get3A, %get3A_0] : memref<256x256xf32, #tpu.memory_space<vmem>>, vector<256x256xf32>
    %get3A_2 = arith.constant 0 : index
    %get3A_3 = arith.constant 0 : index
    %get3A_4 = vector.load %arg13[%get3A_2, %get3A_3] : memref<144x128xf32, #tpu.memory_space<vmem>>, vector<128x128xf32>
    %slice3A = vector.extract_strided_slice %get3A_1 {offsets = [128, 0], sizes = [128, 256], strides = [1, 1]} : vector<256x256xf32> to vector<128x256xf32>
    %dot_general3A = arith.constant dense<0.000000e+00> : vector<128x256xf32>
    %dot_general3A_5 = tpu.matmul %get3A_4, %slice3A, %dot_general3A {dimension_numbers = #tpu.dot_dimension_numbers<[1], [0], [0], [1], [0, 0, 1, 1], [], []>, transpose_lhs_hint = false} : vector<128x128xf32>, vector<128x256xf32>, vector<128x256xf32> -> vector<128x256xf32>
    %get3A_6 = arith.constant 128 : index
    %get3A_7 = arith.constant 0 : index
    %get3A_8 = vector.load %arg13[%get3A_6, %get3A_7] : memref<144x128xf32, #tpu.memory_space<vmem>>, vector<8x128xf32>
    %slice3A_9 = vector.extract_strided_slice %get3A_1 {offsets = [0, 0], sizes = [128, 256], strides = [1, 1]} : vector<256x256xf32> to vector<128x256xf32>
    %dot_general3A_10 = arith.constant dense<0.000000e+00> : vector<8x256xf32>
    %dot_general3A_11 = tpu.matmul %get3A_8, %slice3A_9, %dot_general3A_10 {dimension_numbers = #tpu.dot_dimension_numbers<[1], [0], [0], [1], [0, 0, 1, 1], [], []>, transpose_lhs_hint = false} : vector<8x128xf32>, vector<128x256xf32>, vector<8x256xf32> -> vector<8x256xf32>
    %get3A_12 = arith.constant 0 : index
    %get3A_13 = vector.load %arg15[%get3A_12] : memref<256xf32, #tpu.memory_space<vmem>>, vector<256xf32>
    %broadcast_in_dim3A = vector.shape_cast %get3A_13 : vector<256xf32> to vector<1x256xf32>
    %slice3A_14 = vector.extract_strided_slice %dot_general3A_5 {offsets = [0, 0], sizes = [32, 256], strides = [1, 1]} : vector<128x256xf32> to vector<32x256xf32>
    %slice3A_15 = vector.extract_strided_slice %dot_general3A_11 {offsets = [0, 0], sizes = [1, 256], strides = [1, 1]} : vector<8x256xf32> to vector<1x256xf32>
    %squeeze3A = vector.shape_cast %slice3A_15 : vector<1x256xf32> to vector<256xf32>
    %broadcast_in_dim3A_16 = vector.shape_cast %squeeze3A : vector<256xf32> to vector<1x256xf32>
    %add3A = vector.broadcast %broadcast_in_dim3A_16 : vector<1x256xf32> to vector<32x256xf32>
    %add3A_17 = arith.addf %slice3A_14, %add3A : vector<32x256xf32>
    %add3A_18 = vector.broadcast %broadcast_in_dim3A : vector<1x256xf32> to vector<32x256xf32>
    %add3A_19 = arith.addf %add3A_17, %add3A_18 : vector<32x256xf32>
    %max3A = arith.constant 0.000000e+00 : f32
    %max3A_20 = vector.broadcast %max3A : f32 to vector<32x256xf32>
    %max3A_21 = arith.maximumf %add3A_19, %max3A_20 : vector<32x256xf32>
    %reduce_max3A = arith.constant dense<0xFF800000> : vector<256xf32>
    %reduce_max3A_22 = vector.multi_reduction <maximumf>, %max3A_21, %reduce_max3A [0] : vector<32x256xf32> to vector<256xf32>
    %broadcast_in_dim3A_23 = vector.shape_cast %reduce_max3A_22 : vector<256xf32> to vector<1x256xf32>
    %slice3A_24 = vector.extract_strided_slice %dot_general3A_5 {offsets = [32, 0], sizes = [32, 256], strides = [1, 1]} : vector<128x256xf32> to vector<32x256xf32>
    %slice3A_25 = vector.extract_strided_slice %dot_general3A_11 {offsets = [1, 0], sizes = [1, 256], strides = [1, 1]} : vector<8x256xf32> to vector<1x256xf32>
    %squeeze3A_26 = vector.shape_cast %slice3A_25 : vector<1x256xf32> to vector<256xf32>
    %broadcast_in_dim3A_27 = vector.shape_cast %squeeze3A_26 : vector<256xf32> to vector<1x256xf32>
    %add3A_28 = vector.broadcast %broadcast_in_dim3A_27 : vector<1x256xf32> to vector<32x256xf32>
    %add3A_29 = arith.addf %slice3A_24, %add3A_28 : vector<32x256xf32>
    %add3A_30 = vector.broadcast %broadcast_in_dim3A : vector<1x256xf32> to vector<32x256xf32>
    %add3A_31 = arith.addf %add3A_29, %add3A_30 : vector<32x256xf32>
    %max3A_32 = arith.constant 0.000000e+00 : f32
    %max3A_33 = vector.broadcast %max3A_32 : f32 to vector<32x256xf32>
    %max3A_34 = arith.maximumf %add3A_31, %max3A_33 : vector<32x256xf32>
    %reduce_max3A_35 = arith.constant dense<0xFF800000> : vector<256xf32>
    %reduce_max3A_36 = vector.multi_reduction <maximumf>, %max3A_34, %reduce_max3A_35 [0] : vector<32x256xf32> to vector<256xf32>
    %broadcast_in_dim3A_37 = vector.shape_cast %reduce_max3A_36 : vector<256xf32> to vector<1x256xf32>
    %slice3A_38 = vector.extract_strided_slice %dot_general3A_5 {offsets = [64, 0], sizes = [32, 256], strides = [1, 1]} : vector<128x256xf32> to vector<32x256xf32>
    %slice3A_39 = vector.extract_strided_slice %dot_general3A_11 {offsets = [2, 0], sizes = [1, 256], strides = [1, 1]} : vector<8x256xf32> to vector<1x256xf32>
    %squeeze3A_40 = vector.shape_cast %slice3A_39 : vector<1x256xf32> to vector<256xf32>
    %broadcast_in_dim3A_41 = vector.shape_cast %squeeze3A_40 : vector<256xf32> to vector<1x256xf32>
    %add3A_42 = vector.broadcast %broadcast_in_dim3A_41 : vector<1x256xf32> to vector<32x256xf32>
    %add3A_43 = arith.addf %slice3A_38, %add3A_42 : vector<32x256xf32>
    %add3A_44 = vector.broadcast %broadcast_in_dim3A : vector<1x256xf32> to vector<32x256xf32>
    %add3A_45 = arith.addf %add3A_43, %add3A_44 : vector<32x256xf32>
    %max3A_46 = arith.constant 0.000000e+00 : f32
    %max3A_47 = vector.broadcast %max3A_46 : f32 to vector<32x256xf32>
    %max3A_48 = arith.maximumf %add3A_45, %max3A_47 : vector<32x256xf32>
    %reduce_max3A_49 = arith.constant dense<0xFF800000> : vector<256xf32>
    %reduce_max3A_50 = vector.multi_reduction <maximumf>, %max3A_48, %reduce_max3A_49 [0] : vector<32x256xf32> to vector<256xf32>
    %broadcast_in_dim3A_51 = vector.shape_cast %reduce_max3A_50 : vector<256xf32> to vector<1x256xf32>
    %slice3A_52 = vector.extract_strided_slice %dot_general3A_5 {offsets = [96, 0], sizes = [32, 256], strides = [1, 1]} : vector<128x256xf32> to vector<32x256xf32>
    %slice3A_53 = vector.extract_strided_slice %dot_general3A_11 {offsets = [3, 0], sizes = [1, 256], strides = [1, 1]} : vector<8x256xf32> to vector<1x256xf32>
    %squeeze3A_54 = vector.shape_cast %slice3A_53 : vector<1x256xf32> to vector<256xf32>
    %broadcast_in_dim3A_55 = vector.shape_cast %squeeze3A_54 : vector<256xf32> to vector<1x256xf32>
    %add3A_56 = vector.broadcast %broadcast_in_dim3A_55 : vector<1x256xf32> to vector<32x256xf32>
    %add3A_57 = arith.addf %slice3A_52, %add3A_56 : vector<32x256xf32>
    %add3A_58 = vector.broadcast %broadcast_in_dim3A : vector<1x256xf32> to vector<32x256xf32>
    %add3A_59 = arith.addf %add3A_57, %add3A_58 : vector<32x256xf32>
    %max3A_60 = arith.constant 0.000000e+00 : f32
    %max3A_61 = vector.broadcast %max3A_60 : f32 to vector<32x256xf32>
    %max3A_62 = arith.maximumf %add3A_59, %max3A_61 : vector<32x256xf32>
    %reduce_max3A_63 = arith.constant dense<0xFF800000> : vector<256xf32>
    %reduce_max3A_64 = vector.multi_reduction <maximumf>, %max3A_62, %reduce_max3A_63 [0] : vector<32x256xf32> to vector<256xf32>
    %broadcast_in_dim3A_65 = vector.shape_cast %reduce_max3A_64 : vector<256xf32> to vector<1x256xf32>
    %concatenate3A = tpu.concatenate %broadcast_in_dim3A_23, %broadcast_in_dim3A_37, %broadcast_in_dim3A_51, %broadcast_in_dim3A_65 in 0 : vector<1x256xf32>, vector<1x256xf32>, vector<1x256xf32>, vector<1x256xf32> -> vector<4x256xf32>
    tpu.wait_dma2 semaphore(%arg26 : memref<!tpu.dma_semaphore, #tpu.memory_space<semaphore_mem>>) src(%arg3 : memref<256x1024xf32, #tpu.memory_space<any>>) dst(%arg16 : memref<256x1024xf32, #tpu.memory_space<vmem>>)
    tpu.wait_dma2 semaphore(%arg26 : memref<!tpu.dma_semaphore, #tpu.memory_space<semaphore_mem>>) src(%arg5 : memref<1024xf32, #tpu.memory_space<any>>) dst(%arg18 : memref<1024xf32, #tpu.memory_space<vmem>>)
    %get3A_66 = arith.constant 0 : index
    %get3A_67 = arith.constant 0 : index
    %get3A_68 = vector.load %arg16[%get3A_66, %get3A_67] : memref<256x1024xf32, #tpu.memory_space<vmem>>, vector<256x1024xf32>
    %dot_general3A_69 = arith.constant dense<0.000000e+00> : vector<4x1024xf32>
    %dot_general3A_70 = tpu.matmul %concatenate3A, %get3A_68, %dot_general3A_69 {dimension_numbers = #tpu.dot_dimension_numbers<[1], [0], [0], [1], [0, 0, 1, 1], [], []>, transpose_lhs_hint = false} : vector<4x256xf32>, vector<256x1024xf32>, vector<4x1024xf32> -> vector<4x1024xf32>
    %get3A_71 = arith.constant 0 : index
    %get3A_72 = vector.load %arg18[%get3A_71] : memref<1024xf32, #tpu.memory_space<vmem>>, vector<1024xf32>
    %broadcast_in_dim3A_73 = vector.shape_cast %get3A_72 : vector<1024xf32> to vector<1x1024xf32>
    %add3A_74 = vector.broadcast %broadcast_in_dim3A_73 : vector<1x1024xf32> to vector<4x1024xf32>
    %add3A_75 = arith.addf %dot_general3A_70, %add3A_74 : vector<4x1024xf32>
    tpu.wait_dma2 semaphore(%arg27 : memref<!tpu.dma_semaphore, #tpu.memory_space<semaphore_mem>>) src(%arg4 : memref<256x1024xf32, #tpu.memory_space<any>>) dst(%arg17 : memref<256x1024xf32, #tpu.memory_space<vmem>>)
    %get3A_76 = arith.constant 0 : index
    %get3A_77 = arith.constant 0 : index
    %get3A_78 = vector.load %arg17[%get3A_76, %get3A_77] : memref<256x1024xf32, #tpu.memory_space<vmem>>, vector<256x1024xf32>
    %broadcast_in_dim3A_79 = arith.constant 0.000000e+00 : f32
    %broadcast_in_dim3A_80 = vector.broadcast %broadcast_in_dim3A_79 : f32 to vector<1x256xf32>
    %broadcast_in_dim3A_81 = arith.constant 0.000000e+00 : f32
    %broadcast_in_dim3A_82 = vector.broadcast %broadcast_in_dim3A_81 : f32 to vector<1x256xf32>
    %slice3A_83 = vector.extract_strided_slice %add3A_75 {offsets = [0, 0], sizes = [1, 1024], strides = [1, 1]} : vector<4x1024xf32> to vector<1x1024xf32>
    %dot_general3A_84 = arith.constant dense<0.000000e+00> : vector<1x1024xf32>
    %dot_general3A_85 = tpu.matmul %broadcast_in_dim3A_80, %get3A_78, %dot_general3A_84 {dimension_numbers = #tpu.dot_dimension_numbers<[1], [0], [0], [1], [0, 0, 1, 1], [], []>, transpose_lhs_hint = false} : vector<1x256xf32>, vector<256x1024xf32>, vector<1x1024xf32> -> vector<1x1024xf32>
    %add3A_86 = arith.addf %slice3A_83, %dot_general3A_85 : vector<1x1024xf32>
    %slice3A_87 = vector.extract_strided_slice %add3A_86 {offsets = [0, 0], sizes = [1, 256], strides = [1, 1]} : vector<1x1024xf32> to vector<1x256xf32>
    %slice3A_88 = vector.extract_strided_slice %add3A_86 {offsets = [0, 256], sizes = [1, 256], strides = [1, 1]} : vector<1x1024xf32> to vector<1x256xf32>
    %slice3A_89 = vector.extract_strided_slice %add3A_86 {offsets = [0, 512], sizes = [1, 256], strides = [1, 1]} : vector<1x1024xf32> to vector<1x256xf32>
    %slice3A_90 = vector.extract_strided_slice %add3A_86 {offsets = [0, 768], sizes = [1, 256], strides = [1, 1]} : vector<1x1024xf32> to vector<1x256xf32>
    %logistic3A = arith.negf %slice3A_88 : vector<1x256xf32>
    %logistic3A_91 = math.exp %logistic3A : vector<1x256xf32>
    %logistic3A_92 = arith.constant 1.000000e+00 : f32
    %logistic3A_93 = vector.broadcast %logistic3A_92 : f32 to vector<1x256xf32>
    %logistic3A_94 = arith.addf %logistic3A_93, %logistic3A_91 : vector<1x256xf32>
    %logistic3A_95 = arith.divf %logistic3A_93, %logistic3A_94 : vector<1x256xf32>
    %mul3A = arith.mulf %logistic3A_95, %broadcast_in_dim3A_82 : vector<1x256xf32>
    %logistic3A_96 = arith.negf %slice3A_87 : vector<1x256xf32>
    %logistic3A_97 = math.exp %logistic3A_96 : vector<1x256xf32>
    %logistic3A_98 = arith.constant 1.000000e+00 : f32
    %logistic3A_99 = vector.broadcast %logistic3A_98 : f32 to vector<1x256xf32>
    %logistic3A_100 = arith.addf %logistic3A_99, %logistic3A_97 : vector<1x256xf32>
    %logistic3A_101 = arith.divf %logistic3A_99, %logistic3A_100 : vector<1x256xf32>
    %tanh3A = math.tanh %slice3A_89 : vector<1x256xf32>
    %mul3A_102 = arith.mulf %logistic3A_101, %tanh3A : vector<1x256xf32>
    %add3A_103 = arith.addf %mul3A, %mul3A_102 : vector<1x256xf32>
    %logistic3A_104 = arith.negf %slice3A_90 : vector<1x256xf32>
    %logistic3A_105 = math.exp %logistic3A_104 : vector<1x256xf32>
    %logistic3A_106 = arith.constant 1.000000e+00 : f32
    %logistic3A_107 = vector.broadcast %logistic3A_106 : f32 to vector<1x256xf32>
    %logistic3A_108 = arith.addf %logistic3A_107, %logistic3A_105 : vector<1x256xf32>
    %logistic3A_109 = arith.divf %logistic3A_107, %logistic3A_108 : vector<1x256xf32>
    %tanh3A_110 = math.tanh %add3A_103 : vector<1x256xf32>
    %mul3A_111 = arith.mulf %logistic3A_109, %tanh3A_110 : vector<1x256xf32>
    %slice3A_112 = vector.extract_strided_slice %add3A_75 {offsets = [1, 0], sizes = [1, 1024], strides = [1, 1]} : vector<4x1024xf32> to vector<1x1024xf32>
    %dot_general3A_113 = arith.constant dense<0.000000e+00> : vector<1x1024xf32>
    %dot_general3A_114 = tpu.matmul %mul3A_111, %get3A_78, %dot_general3A_113 {dimension_numbers = #tpu.dot_dimension_numbers<[1], [0], [0], [1], [0, 0, 1, 1], [], []>, transpose_lhs_hint = false} : vector<1x256xf32>, vector<256x1024xf32>, vector<1x1024xf32> -> vector<1x1024xf32>
    %add3A_115 = arith.addf %slice3A_112, %dot_general3A_114 : vector<1x1024xf32>
    %slice3A_116 = vector.extract_strided_slice %add3A_115 {offsets = [0, 0], sizes = [1, 256], strides = [1, 1]} : vector<1x1024xf32> to vector<1x256xf32>
    %slice3A_117 = vector.extract_strided_slice %add3A_115 {offsets = [0, 256], sizes = [1, 256], strides = [1, 1]} : vector<1x1024xf32> to vector<1x256xf32>
    %slice3A_118 = vector.extract_strided_slice %add3A_115 {offsets = [0, 512], sizes = [1, 256], strides = [1, 1]} : vector<1x1024xf32> to vector<1x256xf32>
    %slice3A_119 = vector.extract_strided_slice %add3A_115 {offsets = [0, 768], sizes = [1, 256], strides = [1, 1]} : vector<1x1024xf32> to vector<1x256xf32>
    %logistic3A_120 = arith.negf %slice3A_117 : vector<1x256xf32>
    %logistic3A_121 = math.exp %logistic3A_120 : vector<1x256xf32>
    %logistic3A_122 = arith.constant 1.000000e+00 : f32
    %logistic3A_123 = vector.broadcast %logistic3A_122 : f32 to vector<1x256xf32>
    %logistic3A_124 = arith.addf %logistic3A_123, %logistic3A_121 : vector<1x256xf32>
    %logistic3A_125 = arith.divf %logistic3A_123, %logistic3A_124 : vector<1x256xf32>
    %mul3A_126 = arith.mulf %logistic3A_125, %add3A_103 : vector<1x256xf32>
    %logistic3A_127 = arith.negf %slice3A_116 : vector<1x256xf32>
    %logistic3A_128 = math.exp %logistic3A_127 : vector<1x256xf32>
    %logistic3A_129 = arith.constant 1.000000e+00 : f32
    %logistic3A_130 = vector.broadcast %logistic3A_129 : f32 to vector<1x256xf32>
    %logistic3A_131 = arith.addf %logistic3A_130, %logistic3A_128 : vector<1x256xf32>
    %logistic3A_132 = arith.divf %logistic3A_130, %logistic3A_131 : vector<1x256xf32>
    %tanh3A_133 = math.tanh %slice3A_118 : vector<1x256xf32>
    %mul3A_134 = arith.mulf %logistic3A_132, %tanh3A_133 : vector<1x256xf32>
    %add3A_135 = arith.addf %mul3A_126, %mul3A_134 : vector<1x256xf32>
    %logistic3A_136 = arith.negf %slice3A_119 : vector<1x256xf32>
    %logistic3A_137 = math.exp %logistic3A_136 : vector<1x256xf32>
    %logistic3A_138 = arith.constant 1.000000e+00 : f32
    %logistic3A_139 = vector.broadcast %logistic3A_138 : f32 to vector<1x256xf32>
    %logistic3A_140 = arith.addf %logistic3A_139, %logistic3A_137 : vector<1x256xf32>
    %logistic3A_141 = arith.divf %logistic3A_139, %logistic3A_140 : vector<1x256xf32>
    %tanh3A_142 = math.tanh %add3A_135 : vector<1x256xf32>
    %mul3A_143 = arith.mulf %logistic3A_141, %tanh3A_142 : vector<1x256xf32>
    %slice3A_144 = vector.extract_strided_slice %add3A_75 {offsets = [2, 0], sizes = [1, 1024], strides = [1, 1]} : vector<4x1024xf32> to vector<1x1024xf32>
    %dot_general3A_145 = arith.constant dense<0.000000e+00> : vector<1x1024xf32>
    %dot_general3A_146 = tpu.matmul %mul3A_143, %get3A_78, %dot_general3A_145 {dimension_numbers = #tpu.dot_dimension_numbers<[1], [0], [0], [1], [0, 0, 1, 1], [], []>, transpose_lhs_hint = false} : vector<1x256xf32>, vector<256x1024xf32>, vector<1x1024xf32> -> vector<1x1024xf32>
    %add3A_147 = arith.addf %slice3A_144, %dot_general3A_146 : vector<1x1024xf32>
    %slice3A_148 = vector.extract_strided_slice %add3A_147 {offsets = [0, 0], sizes = [1, 256], strides = [1, 1]} : vector<1x1024xf32> to vector<1x256xf32>
    %slice3A_149 = vector.extract_strided_slice %add3A_147 {offsets = [0, 256], sizes = [1, 256], strides = [1, 1]} : vector<1x1024xf32> to vector<1x256xf32>
    %slice3A_150 = vector.extract_strided_slice %add3A_147 {offsets = [0, 512], sizes = [1, 256], strides = [1, 1]} : vector<1x1024xf32> to vector<1x256xf32>
    %slice3A_151 = vector.extract_strided_slice %add3A_147 {offsets = [0, 768], sizes = [1, 256], strides = [1, 1]} : vector<1x1024xf32> to vector<1x256xf32>
    %logistic3A_152 = arith.negf %slice3A_149 : vector<1x256xf32>
    %logistic3A_153 = math.exp %logistic3A_152 : vector<1x256xf32>
    %logistic3A_154 = arith.constant 1.000000e+00 : f32
    %logistic3A_155 = vector.broadcast %logistic3A_154 : f32 to vector<1x256xf32>
    %logistic3A_156 = arith.addf %logistic3A_155, %logistic3A_153 : vector<1x256xf32>
    %logistic3A_157 = arith.divf %logistic3A_155, %logistic3A_156 : vector<1x256xf32>
    %mul3A_158 = arith.mulf %logistic3A_157, %add3A_135 : vector<1x256xf32>
    %logistic3A_159 = arith.negf %slice3A_148 : vector<1x256xf32>
    %logistic3A_160 = math.exp %logistic3A_159 : vector<1x256xf32>
    %logistic3A_161 = arith.constant 1.000000e+00 : f32
    %logistic3A_162 = vector.broadcast %logistic3A_161 : f32 to vector<1x256xf32>
    %logistic3A_163 = arith.addf %logistic3A_162, %logistic3A_160 : vector<1x256xf32>
    %logistic3A_164 = arith.divf %logistic3A_162, %logistic3A_163 : vector<1x256xf32>
    %tanh3A_165 = math.tanh %slice3A_150 : vector<1x256xf32>
    %mul3A_166 = arith.mulf %logistic3A_164, %tanh3A_165 : vector<1x256xf32>
    %add3A_167 = arith.addf %mul3A_158, %mul3A_166 : vector<1x256xf32>
    %logistic3A_168 = arith.negf %slice3A_151 : vector<1x256xf32>
    %logistic3A_169 = math.exp %logistic3A_168 : vector<1x256xf32>
    %logistic3A_170 = arith.constant 1.000000e+00 : f32
    %logistic3A_171 = vector.broadcast %logistic3A_170 : f32 to vector<1x256xf32>
    %logistic3A_172 = arith.addf %logistic3A_171, %logistic3A_169 : vector<1x256xf32>
    %logistic3A_173 = arith.divf %logistic3A_171, %logistic3A_172 : vector<1x256xf32>
    %tanh3A_174 = math.tanh %add3A_167 : vector<1x256xf32>
    %mul3A_175 = arith.mulf %logistic3A_173, %tanh3A_174 : vector<1x256xf32>
    %slice3A_176 = vector.extract_strided_slice %add3A_75 {offsets = [3, 0], sizes = [1, 1024], strides = [1, 1]} : vector<4x1024xf32> to vector<1x1024xf32>
    %dot_general3A_177 = arith.constant dense<0.000000e+00> : vector<1x1024xf32>
    %dot_general3A_178 = tpu.matmul %mul3A_175, %get3A_78, %dot_general3A_177 {dimension_numbers = #tpu.dot_dimension_numbers<[1], [0], [0], [1], [0, 0, 1, 1], [], []>, transpose_lhs_hint = false} : vector<1x256xf32>, vector<256x1024xf32>, vector<1x1024xf32> -> vector<1x1024xf32>
    %add3A_179 = arith.addf %slice3A_176, %dot_general3A_178 : vector<1x1024xf32>
    %slice3A_180 = vector.extract_strided_slice %add3A_179 {offsets = [0, 0], sizes = [1, 256], strides = [1, 1]} : vector<1x1024xf32> to vector<1x256xf32>
    %slice3A_181 = vector.extract_strided_slice %add3A_179 {offsets = [0, 256], sizes = [1, 256], strides = [1, 1]} : vector<1x1024xf32> to vector<1x256xf32>
    %slice3A_182 = vector.extract_strided_slice %add3A_179 {offsets = [0, 512], sizes = [1, 256], strides = [1, 1]} : vector<1x1024xf32> to vector<1x256xf32>
    %slice3A_183 = vector.extract_strided_slice %add3A_179 {offsets = [0, 768], sizes = [1, 256], strides = [1, 1]} : vector<1x1024xf32> to vector<1x256xf32>
    %logistic3A_184 = arith.negf %slice3A_181 : vector<1x256xf32>
    %logistic3A_185 = math.exp %logistic3A_184 : vector<1x256xf32>
    %logistic3A_186 = arith.constant 1.000000e+00 : f32
    %logistic3A_187 = vector.broadcast %logistic3A_186 : f32 to vector<1x256xf32>
    %logistic3A_188 = arith.addf %logistic3A_187, %logistic3A_185 : vector<1x256xf32>
    %logistic3A_189 = arith.divf %logistic3A_187, %logistic3A_188 : vector<1x256xf32>
    %mul3A_190 = arith.mulf %logistic3A_189, %add3A_167 : vector<1x256xf32>
    %logistic3A_191 = arith.negf %slice3A_180 : vector<1x256xf32>
    %logistic3A_192 = math.exp %logistic3A_191 : vector<1x256xf32>
    %logistic3A_193 = arith.constant 1.000000e+00 : f32
    %logistic3A_194 = vector.broadcast %logistic3A_193 : f32 to vector<1x256xf32>
    %logistic3A_195 = arith.addf %logistic3A_194, %logistic3A_192 : vector<1x256xf32>
    %logistic3A_196 = arith.divf %logistic3A_194, %logistic3A_195 : vector<1x256xf32>
    %tanh3A_197 = math.tanh %slice3A_182 : vector<1x256xf32>
    %mul3A_198 = arith.mulf %logistic3A_196, %tanh3A_197 : vector<1x256xf32>
    %add3A_199 = arith.addf %mul3A_190, %mul3A_198 : vector<1x256xf32>
    %logistic3A_200 = arith.negf %slice3A_183 : vector<1x256xf32>
    %logistic3A_201 = math.exp %logistic3A_200 : vector<1x256xf32>
    %logistic3A_202 = arith.constant 1.000000e+00 : f32
    %logistic3A_203 = vector.broadcast %logistic3A_202 : f32 to vector<1x256xf32>
    %logistic3A_204 = arith.addf %logistic3A_203, %logistic3A_201 : vector<1x256xf32>
    %logistic3A_205 = arith.divf %logistic3A_203, %logistic3A_204 : vector<1x256xf32>
    %tanh3A_206 = math.tanh %add3A_199 : vector<1x256xf32>
    %mul3A_207 = arith.mulf %logistic3A_205, %tanh3A_206 : vector<1x256xf32>
    tpu.wait_dma2 semaphore(%arg28 : memref<!tpu.dma_semaphore, #tpu.memory_space<semaphore_mem>>) src(%arg6 : memref<256x256xf32, #tpu.memory_space<any>>) dst(%arg19 : memref<256x256xf32, #tpu.memory_space<vmem>>)
    tpu.wait_dma2 semaphore(%arg28 : memref<!tpu.dma_semaphore, #tpu.memory_space<semaphore_mem>>) src(%arg7 : memref<256xf32, #tpu.memory_space<any>>) dst(%arg20 : memref<256xf32, #tpu.memory_space<vmem>>)
    %get3A_208 = arith.constant 0 : index
    %get3A_209 = arith.constant 0 : index
    %get3A_210 = vector.load %arg19[%get3A_208, %get3A_209] : memref<256x256xf32, #tpu.memory_space<vmem>>, vector<256x256xf32>
    %dot_general3A_211 = arith.constant dense<0.000000e+00> : vector<1x256xf32>
    %dot_general3A_212 = tpu.matmul %mul3A_207, %get3A_210, %dot_general3A_211 {dimension_numbers = #tpu.dot_dimension_numbers<[1], [0], [0], [1], [0, 0, 1, 1], [], []>, transpose_lhs_hint = false} : vector<1x256xf32>, vector<256x256xf32>, vector<1x256xf32> -> vector<1x256xf32>
    %get3A_213 = arith.constant 0 : index
    %get3A_214 = vector.load %arg20[%get3A_213] : memref<256xf32, #tpu.memory_space<vmem>>, vector<256xf32>
    %broadcast_in_dim3A_215 = vector.shape_cast %get3A_214 : vector<256xf32> to vector<1x256xf32>
    %add3A_216 = arith.addf %dot_general3A_212, %broadcast_in_dim3A_215 : vector<1x256xf32>
    %max3A_217 = arith.constant 0.000000e+00 : f32
    %max3A_218 = vector.broadcast %max3A_217 : f32 to vector<1x256xf32>
    %max3A_219 = arith.maximumf %add3A_216, %max3A_218 : vector<1x256xf32>
    tpu.wait_dma2 semaphore(%arg29 : memref<!tpu.dma_semaphore, #tpu.memory_space<semaphore_mem>>) src(%arg8 : memref<256x256xf32, #tpu.memory_space<any>>) dst(%arg21 : memref<256x256xf32, #tpu.memory_space<vmem>>)
    tpu.wait_dma2 semaphore(%arg29 : memref<!tpu.dma_semaphore, #tpu.memory_space<semaphore_mem>>) src(%arg9 : memref<256xf32, #tpu.memory_space<any>>) dst(%arg22 : memref<256xf32, #tpu.memory_space<vmem>>)
    %get3A_220 = arith.constant 0 : index
    %get3A_221 = arith.constant 0 : index
    %get3A_222 = vector.load %arg21[%get3A_220, %get3A_221] : memref<256x256xf32, #tpu.memory_space<vmem>>, vector<256x256xf32>
    %dot_general3A_223 = arith.constant dense<0.000000e+00> : vector<1x256xf32>
    %dot_general3A_224 = tpu.matmul %max3A_219, %get3A_222, %dot_general3A_223 {dimension_numbers = #tpu.dot_dimension_numbers<[1], [0], [0], [1], [0, 0, 1, 1], [], []>, transpose_lhs_hint = false} : vector<1x256xf32>, vector<256x256xf32>, vector<1x256xf32> -> vector<1x256xf32>
    %get3A_225 = arith.constant 0 : index
    %get3A_226 = vector.load %arg22[%get3A_225] : memref<256xf32, #tpu.memory_space<vmem>>, vector<256xf32>
    %broadcast_in_dim3A_227 = vector.shape_cast %get3A_226 : vector<256xf32> to vector<1x256xf32>
    %add3A_228 = arith.addf %dot_general3A_224, %broadcast_in_dim3A_227 : vector<1x256xf32>
    %max3A_229 = arith.constant 0.000000e+00 : f32
    %max3A_230 = vector.broadcast %max3A_229 : f32 to vector<1x256xf32>
    %max3A_231 = arith.maximumf %add3A_228, %max3A_230 : vector<1x256xf32>
    tpu.wait_dma2 semaphore(%arg30 : memref<!tpu.dma_semaphore, #tpu.memory_space<semaphore_mem>>) src(%arg10 : memref<256x2xf32, #tpu.memory_space<any>>) dst(%arg23 : memref<256x2xf32, #tpu.memory_space<vmem>>)
    tpu.wait_dma2 semaphore(%arg30 : memref<!tpu.dma_semaphore, #tpu.memory_space<semaphore_mem>>) src(%arg11 : memref<2xf32, #tpu.memory_space<any>>) dst(%arg24 : memref<2xf32, #tpu.memory_space<vmem>>)
    %get3A_232 = arith.constant 0 : index
    %get3A_233 = arith.constant 0 : index
    %get3A_234 = vector.load %arg23[%get3A_232, %get3A_233] : memref<256x2xf32, #tpu.memory_space<vmem>>, vector<256x2xf32>
    %dot_general3A_235 = arith.constant dense<0.000000e+00> : vector<1x2xf32>
    %dot_general3A_236 = tpu.matmul %max3A_231, %get3A_234, %dot_general3A_235 {dimension_numbers = #tpu.dot_dimension_numbers<[1], [0], [0], [1], [0, 0, 1, 1], [], []>, transpose_lhs_hint = false} : vector<1x256xf32>, vector<256x2xf32>, vector<1x2xf32> -> vector<1x2xf32>
    %get3A_237 = arith.constant 0 : index
    %get3A_238 = vector.load %arg24[%get3A_237] : memref<2xf32, #tpu.memory_space<vmem>>, vector<2xf32>
    %broadcast_in_dim3A_239 = vector.shape_cast %get3A_238 : vector<2xf32> to vector<1x2xf32>
    %add3A_240 = arith.addf %dot_general3A_236, %broadcast_in_dim3A_239 : vector<1x2xf32>
    %reduce_max3A_241 = arith.constant dense<0xFF800000> : vector<1xf32>
    %reduce_max3A_242 = vector.multi_reduction <maximumf>, %add3A_240, %reduce_max3A_241 [1] : vector<1x2xf32> to vector<1xf32>
    %max3A_243 = arith.constant 0xFF800000 : f32
    %max3A_244 = vector.broadcast %max3A_243 : f32 to vector<1xf32>
    %max3A_245 = arith.maximumf %max3A_244, %reduce_max3A_242 : vector<1xf32>
    %broadcast_in_dim3A_246 = vector.shape_cast %max3A_245 : vector<1xf32> to vector<1x1xf32>
    %sub3A = vector.broadcast %broadcast_in_dim3A_246 : vector<1x1xf32> to vector<1x2xf32>
    %sub3A_247 = arith.subf %add3A_240, %sub3A : vector<1x2xf32>
    %exp3A = math.exp %sub3A_247 : vector<1x2xf32>
    %reduce_sum3A = arith.constant dense<0.000000e+00> : vector<1xf32>
    %reduce_sum3A_248 = vector.multi_reduction <add>, %exp3A, %reduce_sum3A [1] : vector<1x2xf32> to vector<1xf32>
    %broadcast_in_dim3A_249 = vector.shape_cast %reduce_sum3A_248 : vector<1xf32> to vector<1x1xf32>
    %div3A = vector.broadcast %broadcast_in_dim3A_249 : vector<1x1xf32> to vector<1x2xf32>
    %div3A_250 = arith.divf %exp3A, %div3A : vector<1x2xf32>
    %squeeze3A_251 = vector.shape_cast %div3A_250 : vector<1x2xf32> to vector<2xf32>
    %swap3A = arith.constant 0 : index
    %swap3A_252 = vector.load %arg12[%swap3A] : memref<2xf32, #tpu.memory_space<vmem>>, vector<2xf32>
    tpu.vector_store %arg12[%swap3A], %squeeze3A_251 {strides = array<i32>} : memref<2xf32, #tpu.memory_space<vmem>>, vector<2xf32>,
    return
  }
}

</mosaic_0001>

<sc_bundles>
// kernel: kernel.4.cloned.1.call-start
scs
__scs_entry_jumppad:
0x0: {  	(pc) =	sbr.rel $0x88, $3  }
0x1: {  	(tag) =	ssettag $0x0;
	lr =	simm.s32 $0x1  }
0x2: {  	[smem:$0x3F93] =	sst lr;
	_ =	strace $0xD0000000  }
0x3: {  	_ = 	snop  }
0x4: {  	_ = 	snop  }
0x5: {  	_ = 	snop  }
0x6: {  	_ = 	snop  }
0x7: {  	_ = 	snop  }
__scs_overlays_trampoline_lowered:
0x8: {  	[smem:$0x3FA2] =	sst s0  }
0x9: {  	[smem:$0x3FA3] =	sst s1  }
0xa: {  	[smem:$0x3FA4] =	sst s2  }
0xb: {  	[smem:$0x3FA5] =	sst s3  }
0xc: {  	[smem:$0x3FA6] =	sst s4  }
0xd: {  	[smem:$0x3FA7] =	sst s5  }
0xe: {  	[smem:$0x3FA8] =	sst s6  }
0xf: {  	[smem:$0x3FA9] =	sst s7  }
0x10: {  	[smem:$0x3FAA] =	sst s8  }
0x11: {  	[smem:$0x3FAB] =	sst s9;
	s0 =	simm.s32 @!p0 $0x0  }
0x12: {  	s1 =	sld [smem:$0x3F91];
	s0 =	simm.s32 @p0 $0x1  }
0x13: {  	[smem:$0x3FAC] =	sst s0;
	s0 =	simm.s32 @!p1 $0x0  }
0x14: {  	s2 =	sld [smem:$0x3F90];
	s0 =	simm.s32 @p1 $0x1  }
0x15: {  	[smem:$0x3FAD] =	sst s0;
	s0 =	simm.s32 @!p2 $0x0  }
0x16: {  	s3 =	sld [smem:$0x3FDB];
	s0 =	simm.s32 @p2 $0x1  }
0x17: {  	s4 =	simm.s32 $0x1BF5;
	[smem:$0x3FAF] =	sst s0  }
0x18: {  	s0 =	sld [smem:$0x3F92];
	_ =	swait.ge [sflag:s4], $0x0  }
0x19: {  	s7 =	sld [smem:$0x3F93]  }
0x1a: {  	s8 =	sadd.s32 $0xFFFFE003, lr  }
0x1b: {  	s9 =	sadd.s32 $0xFFFFFEF7, lr;
	s5 =	simm.s32 $0xFFFFFFFF;
	p2 =	slt.u32 s8, $0xFFFFF086  }
0x1c: {  	p1 =	slt.u32 s9, $0xF7A;
	s5 =	simm.s32 @!p2 $0x0  }
0x1d: {  	s5 =	simm.s32 @p1 $0x1;
	p0 =	seq.s32 s7, s2  }
0x1e: {  	s7 =	smul.u32 @!p0 $0xF7A, s2;
	p2 =	seq.s32 @!p0 s5, $0x0  }
0x1f: {  	s9 =	smul.u32 $0xF7A, s1;
	s8 =	simm.s32 @!p0 $0x1BF5;
	p2 =	por !p2, p0  }
0x20: {  	[sflag:s8] =	ssyncset.s32 @!p0 $0xFFFFF086;
	s6 =	sadd.s32 @!p0 s3, s7;
	s7 =	simm.s32 @!p0 $0x108  }
0x21: {  	s3 =	sadd.s32 s3, s9;
	s6 =	sadd.s32 @!p0 $0x88, s6;
	s7 =	simm.s32 @p2 $0x1082  }
0x22: {  	[simem:s7], [sflag:s8] =	dma.local @!p0 [hbm:s6], $0xF7A  }
0x23: {  	s9 =	sor.u32 $0xD0000000, s2;
	s6 =	simm.s32 $0x108;
	_ =	swait.ge @!p0 [sflag:s8], $0x0  }
0x24: {  	s3 =	sadd.s32 $0x88, s3;
	s6 =	simm.s32 @!p1 $0x1082;
	[sflag:s4] =	ssyncset.s32 $0xFFFFF086  }
0x25: {  	[simem:s6], [sflag:s4] =	dma.local [hbm:s3], $0xF7A  }
0x26: {  	[smem:$0x3F93] =	sst s1;
	(tag) =	ssettag s2;
	_ =	strace s9  }
0x27: {  	s1 =	sld [smem:$0x3FA3]  }
0x28: {  	s2 =	sld [smem:$0x3FA4]  }
0x29: {  	s4 =	sld [smem:$0x3FA6]  }
0x2a: {  	p0 =	seq.s32 s5, $0x0;
	s5 =	sld [smem:$0x3FA7]  }
0x2b: {  	s6 =	sld [smem:$0x3FA8]  }
0x2c: {  	s7 =	sld [smem:$0x3FA9]  }
0x2d: {  	s3 =	simm.s32 $0x108;
	s8 =	sld [smem:$0x3FAA]  }
0x2e: {  	s3 =	simm.s32 @!p0 $0x1082;
	s9 =	sld [smem:$0x3FAB]  }
0x2f: {  	lr =	sadd.s32 s0, s3;
	s0 =	sld [smem:$0x3FA2]  }
0x30: {  	s3 =	sld [smem:$0x3FA5]  }
0x31: {  	[smem:$0x3FAE] =	sst s10  }
0x32: {  	s10 =	sld [smem:$0x3FAC];
	_ =	sdelay $0x3  }
0x33: {  	p0 =	seq.s32 s10, $0x1;
	s10 =	sld [smem:$0x3FAE];
	_ =	sdelay $0x3  }
0x34: {  	[smem:$0x3FAE] =	sst s10  }
0x35: {  	s10 =	sld [smem:$0x3FAD];
	_ =	sdelay $0x3  }
0x36: {  	p1 =	seq.s32 s10, $0x1;
	s10 =	sld [smem:$0x3FAE];
	_ =	sdelay $0x3  }
0x37: {  	[smem:$0x3FAE] =	sst s10  }
0x38: {  	s10 =	sld [smem:$0x3FAF]  }
0x39: {  	_ = 	snop;
	(pc) =	sbr.ind lr, $3  }
0x3a: {  	_ = 	snop  }
0x3b: {  	_ = 	snop  }
0x3c: {  	p2 =	seq.s32 s10, $0x1;
	s10 =	sld [smem:$0x3FAE]  }
0x3d: {  	_ =	shalt  }
0x3e: {  	_ =	shalt  }
0x3f: {  	_ =	shalt  }
0x40: {  	_ =	shalt  }
0x41: {  	_ =	shalt  }
0x42: {  	_ =	shalt  }
0x43: {  	_ =	shalt  }
0x44: {  	_ =	shalt  }
0x45: {  	_ =	shalt  }
0x46: {  	_ =	shalt  }
0x47: {  	_ =	shalt  }
0x48: {  	_ =	shalt  }
0x49: {  	_ =	shalt  }
0x4a: {  	_ =	shalt  }
0x4b: {  	_ =	shalt  }
0x4c: {  	_ =	shalt  }
0x4d: {  	_ =	shalt  }
0x4e: {  	_ =	shalt  }
0x4f: {  	_ =	shalt  }
0x50: {  	_ =	shalt  }
0x51: {  	_ =	shalt  }
0x52: {  	_ =	shalt  }
0x53: {  	_ =	shalt  }
0x54: {  	_ =	shalt  }
0x55: {  	_ =	shalt  }
0x56: {  	_ =	shalt  }
0x57: {  	_ =	shalt  }
0x58: {  	_ =	shalt  }
0x59: {  	_ =	shalt  }
0x5a: {  	_ =	shalt  }
0x5b: {  	_ =	shalt  }
0x5c: {  	_ =	shalt  }
0x5d: {  	_ =	shalt  }
0x5e: {  	_ =	shalt  }
0x5f: {  	_ =	shalt  }
0x60: {  	_ =	shalt  }
0x61: {  	_ =	shalt  }
0x62: {  	_ =	shalt  }
0x63: {  	_ =	shalt  }
0x64: {  	_ =	shalt  }
0x65: {  	_ =	shalt  }
0x66: {  	_ =	shalt  }
0x67: {  	_ =	shalt  }
0x68: {  	_ =	shalt  }
0x69: {  	_ =	shalt  }
0x6a: {  	_ =	shalt  }
0x6b: {  	_ =	shalt  }
0x6c: {  	_ =	shalt  }
0x6d: {  	_ =	shalt  }
0x6e: {  	_ =	shalt  }
0x6f: {  	_ =	shalt  }
0x70: {  	_ =	shalt  }
0x71: {  	_ =	shalt  }
0x72: {  	_ =	shalt  }
0x73: {  	_ =	shalt  }
0x74: {  	_ =	shalt  }
0x75: {  	_ =	shalt  }
0x76: {  	_ =	shalt  }
0x77: {  	_ =	shalt  }
0x78: {  	_ =	shalt  }
0x79: {  	_ =	shalt  }
0x7a: {  	_ =	shalt  }
0x7b: {  	_ =	shalt  }
0x7c: {  	_ =	shalt  }
0x7d: {  	_ =	shalt  }
0x7e: {  	_ =	shalt  }
0x7f: {  	_ =	shalt  }
0x80: {  	_ =	shalt  }
0x81: {  	_ =	shalt  }
0x82: {  	_ =	shalt  }
0x83: {  	_ =	shalt  }
0x84: {  	_ =	shalt  }
0x85: {  	_ =	shalt  }
0x86: {  	_ =	shalt  }
0x87: {  	_ =	shalt  }
.Lfunc_end0:
.L_simem_size_0:
called_computation_lowered:
.L_overlay_start_0:
0x88: {  	s0 =	sld [smem:$0x3FD9]  }
0x89: {  	s1 =	sld [smem:$0x3FFE];
	_ =	sdelay $0x3  }
0x8a: {  	s0 =	sadd.s32 s1, s0  }
0x8b: {  	[smem:$0x3FBA] =	sst s0  }
0x8c: {  	_ = 	snop  }
0x8d: {  	s0 =	sld [smem:$0x3FC9]  }
0x8e: {  	s16 =	sld [smem:$0x3FC7];
	(tm) =	ssettm $0x1  }
0x8f: {  	s2 =	sld [smem:$0x3FFB];
	_ =	sdelay $0x3  }
0x90: {  	_ =	strace s2  }
0x91: {  	s2 =	sld [smem:$0x3FFC];
	_ =	sdelay $0x3  }
0x92: {  	_ =	strace s2  }
0x93: {  	s2 =	sld [smem:$0x3FFD];
	_ =	sdelay $0x3  }
0x94: {  	_ =	strace s2  }
0x95: {  	_ =	strace $0x8FFFFFFF  }
0x96: {  	s17 =	sld [smem:$0x3FDB];
	_ =	sdelay $0x1  }
0x97: {  	s3 =	simm.s32 $_scs_section_size  }
0x98: {  	s4 =	simm.s32 $_size__tile_overlayer_lowered;
	s5 =	simm.s32 $_tile_overlayer_lowered  }
0x99: {  	s20 =	simm.s32 $0x1BFF;
	s19 =	sshll.u32 s5, $0x1;
	s2 =	sadd.s32 s3, s17  }
0x9a: {  	s6 =	simm.s32 $0x0;
	s18 =	sshll.u32 s4, $0x1;
	s4 =	sadd.s32 s19, s2  }
0x9b: {  	[timem:s6], [sflag:s20] =	dma.local [hbm:s4], s18  }
0x9c: {  	_ =	swait.ge [sflag:s20], s18  }
0x9d: {  	s3 =	ssub.s32 $0x0, s18;
	[sflag:s20] =	ssyncset.done $0x0  }
0x9e: {  	[sflag:s20] =	ssyncadd.s32 s3;
	_ =	sdelay $0x1  }
0x9f: {  	s21 =	simm.s32 $0x1B8B  }
0xa0: {  	_ =	swait.ge [sflag:s21], $0x1  }
0xa1: {  	[sflag:s21] =	ssyncset.done $0x0  }
0xa2: {  	s23 =	simm.s32 $0x1B8E;
	s22 =	sld [smem:$0x3FFE];
	[sflag:s21] =	ssyncadd.s32 $0xFFFFFFFF  }
0xa3: {  	s24 =	simm.s32 $execute0_lowered;
	[smem:$0x3FD2] =	sst s23  }
0xa4: {  	s4 =	sshll.u32 s24, $0x1;
	_ =	strace $0x80000046;
	[dreg:$0x1] =	wrdreg $0xFFFFFFFF  }
0xa5: {  	s25 =	simm.s32 $_size_execute0_lowered;
	s2 =	sadd.s32 s2, s4;
	[dreg:$0x0] =	wrdreg $0x0  }
0xa6: {  	s4 =	sshll.u32 s25, $0x1;
	[dreg:$0x2] =	wrdreg s2  }
0xa7: {  	[dreg:$0x3] =	wrdreg s4  }
0xa8: {  	[dreg:$0x4] =	wrdreg $0xC0  }
0xa9: {  	_ =	task [dreg:s6], $0x5FFFF  }
0xaa: {  	[dreg:$0x1] =	wrdreg $0xFFFFFFFF  }
0xab: {  	[dreg:$0x0] =	wrdreg $0x60  }
0xac: {  	[dreg:$0x2] =	wrdreg s0  }
0xad: {  	[dreg:$0x3] =	wrdreg s22  }
0xae: {  	[dreg:$0x4] =	wrdreg s16  }
0xaf: {  	[dreg:$0x5] =	wrdreg $0x9  }
0xb0: {  	_ =	task.clear_ibuf [dreg:s6], $0x6FFFF;
	_ =	strace $0x90000046  }
0xb1: {  	s26 =	simm.s32 $0x9;
	_ =	strace $0x80000048  }
0xb2: {  	_ =	swait.ge [sflag:s26], $0x1  }
0xb3: {  	[sflag:s26] =	ssyncadd.s32 $0xFFFFFFFF  }
0xb4: {  	_ =	strace $0x90000048  }
0xb5: {  	_ =	sfence  }
0xb6: {  	s28 =	sld [smem:$0x0];
	_ =	sdelay $0x1  }
0xb7: {  	s29 =	srdreg.scid  }
0xb8: {  	s30 =	sshll.u32 s29, $0xD;
	s31 =	sshrl.u32 s29, $0x2  }
0xb9: {  	s1 =	sand.u32 $0x1, s29;
	s2 =	sand.u32 $0x4000, s30;
	s0 =	sadd.s32 s31, s28  }
0xba: {  	s1 =	sor.u32 s2, s1;
	s0 =	sshll.u32 s0, $0x11  }
0xbb: {  	s0 =	sor.u32 s0, s1  }
0xbc: {  	s0 =	sadd.s32 $0x8F2B, s0  }
0xbd: {  	[sflag:s0] =	ssyncadd.remote.s32 $0x1  }
0xbe: {  	_ =	sfence.sel $0xFFFF  }
0xbf: {  	[dreg:$0x0] =	wrdreg $0xFFFFFFFF;
	(pc) =	sbr.abs _section_cstart, $3  }
0xc0: {  	[dreg:$0x1] =	wrdreg $0xFFFFFFFF  }
0xc1: {  	_ =	task.clear_ibuf [dreg:s6], $0x2FFFF;
	_ =	strace $0x9FFFFFFF  }
0xc2: {  	(tm) =	ssettm $0x7FFFFFFF  }
0xc3: {  	_ =	shalt  }
tec
execute0_lowered:
.L_overlay_start_1:
0x0: {  	(tag) =	ssettag $0x1  }
0x1: {  	s1 =	stileid.u32  }
0x2: {  	p0 =	sgt.u32 s1, $0x8  }
.Ltmp0:
0x3: {  	s4 =	rddreg [dreg:$0x0];
	(pc) =	sbr.rel @p0 .LBB2_2-.Ltmp0, $4  }
0x4: {  	s3 =	rddreg [dreg:$0x1]  }
0x5: {  	s5 =	rddreg [dreg:$0x2];
	s2 =	simm.s32 $0x0  }
0x6: {  	[smem:$0x7FF] =	sst s2  }
0x7: {  	s0 =	rddreg [dreg:$0x3];
	_ =	strace $0x80000047  }
0x8: {  	[tilespmem:s2], [sflag:$0x1] =	stream.linear.gather [hbm4b:s5+s2], $0x8, $0x38;
	[tilespmem:$0x1080] =	vst v63  }
0x9: {  	s20 =	sadd.s32 $0x1, s5;
	s6 =	simm.s32 $0x1;
	s7 =	simm.s32 $0x8  }
0xa: {  	[tilespmem:s7], [sflag:$0x1] =	stream.linear.gather [hbm4b:s20+s2], $0x1, $0x38;
	[tilespmem:$0x1080] =	vst v63  }
0xb: {  	_ =	swait.ge [sflag:s6], $0x8  }
0xc: {  	[sflag:s6] =	ssyncset.done $0x0  }
0xd: {  	[sflag:s6] =	ssyncadd.s32 $0xFFFFFFF8  }
0xe: {  	_ =	swait.ge [sflag:s6], $0x1  }
0xf: {  	[sflag:s6] =	ssyncset.done $0x0  }
0x10: {  	[sflag:s6] =	ssyncadd.s32 $0xFFFFFFFF  }
0x11: {  	v0 =	vld [tilespmem:$0x0]  }
0x12: {  	v1 =	vimm.s32 $0x8060402  }
0x13: {  	v1 =	vunpack.c.0.s8.s32 v1  }
0x14: {  	vm0 =	vcmask $0xF00  }
0x15: {  	s21 =	sshrl.u32 s1, $0x1;
	v1 =	vnsel vm0, $0x8, v1  }
0x16: {  	s5 =	smin.u32 s21, $0x3;
	v0 =	vperm.xlane v0, v1  }
0x17: {  	v44 =	vmov s5  }
0x18: {  	v1 =	vperm.xlane v0, v44;
	_ =	sdelay $0x1  }
0x19: {  	v2 =	vshra.s32 v1, $0x2;
	_ =	sdelay $0x3  }
0x1a: {  	s22 =	sadd.s32 $0x1C00, s3;
	vm9 =	vmmov $0xffff;
	s23 =	simm.s32 $0x80  }
0x1b: {  	[tilespmem:s23], [sflag:$0x1] =	stream.indirect_vreg.gather [hbm4b:s22+s2], $0x80, v2, vm9, $0xb8;
	[tilespmem:$0x1080] =	vst v63  }
0x1c: {  	_ =	swait.ge [sflag:s6], $0x800  }
0x1d: {  	v1 =	vshll.u32 v1, $0x1;
	[sflag:s6] =	ssyncset.done $0x0  }
0x1e: {  	s24 =	sand.u32 $0x1, s1;
	v1 =	vand.u32 $0x6, v1;
	[sflag:s6] =	ssyncadd.s32 $0xFFFFF800  }
0x1f: {  	v4 =	vor.u32 s24, v1;
	v46 =	vadd.s32 $0xFFFFFFFE, v1;
	v52 =	vadd.s32 $0xFFFFFFFC, v1;
	v45 =	vld [tilespmem:$0x80]  }
0x20: {  	v1 =	vadd.s32 $0xFFFFFFFA, v1;
	v5 =	vadd.s32 $0xFFFFFFFF, v4;
	v6 =	vsub.s32 $0x1, v4;
	v3 =	vld [tilespmem:$0x90]  }
0x21: {  	vm1 =	veq.s32 v4, $0x0;
	v47 =	vsub.s32 $0x2, v4;
	v48 =	vadd.s32 $0xFFFFFFFD, v4;
	v7 =	vld [tilespmem:$0xA0]  }
0x22: {  	v49 =	vsub.s32 $0x3, v4;
	v53 =	vsub.s32 $0x4, v4;
	v5 =	vor.u32 v6, v5;
	v8 =	vld [tilespmem:$0xB0]  }
0x23: {  	v57 =	vadd.s32 $0xFFFFFFFB, v4;
	vm2 =	vlt.s32 v5, $0x0;
	v5 =	vor.u32 v46, v47  }
0x24: {  	v58 =	vsub.s32 $0x5, v4;
	v59 =	vsub.s32 $0x6, v4;
	vm10 =	vlt.s32 v5, $0x0;
	v51 =	vld [tilespmem:$0xC0]  }
0x25: {  	v5 =	vor.u32 v49, v48;
	v54 =	vld [tilespmem:$0xD0];
	v2 =	vnsel vm1, $0x0, v45;
	v3 =	vsel vm2, $0x0, v3  }
0x26: {  	vm11 =	vlt.s32 v5, $0x0;
	v56 =	vld [tilespmem:$0xE0];
	v50 =	vsel vm10, $0x0, v7;
	v2 =	vadd.s32 v2, v3  }
0x27: {  	v55 =	vor.u32 v52, v53;
	v9 =	vld [tilespmem:$0xF0];
	v5 =	vsel vm11, $0x0, v8;
	v2 =	vadd.s32 v50, v2  }
0x28: {  	vm12 =	vlt.s32 v55, $0x0;
	v2 =	vadd.s32 v5, v2;
	v5 =	vor.u32 v58, v57  }
0x29: {  	v1 =	vor.u32 v1, v59;
	v3 =	vsel vm12, $0x0, v51;
	vm13 =	vlt.s32 v5, $0x0  }
0x2a: {  	vm14 =	vlt.s32 v1, $0x0;
	v2 =	vadd.s32 v3, v2;
	v60 =	vsel vm13, $0x0, v54  }
0x2b: {  	vm15 =	veq.s32 v4, $0x7;
	v62 =	vsel vm14, $0x0, v56;
	v61 =	vadd.s32 v60, v2  }
0x2c: {  	s25 =	sadd.s32 $0xFFFFFFF8, s1;
	p0 =	seq.s32 s1, $0x8;
	s6 =	simm.s32 $0x1;
	v63 =	vnsel vm15, $0x0, v9;
	v1 =	vadd.s32 v62, v61  }
0x2d: {  	s5 =	sshrl.u32 s25, $0x1F;
	s6 =	simm.s32 @!p0 $0x0;
	v1 =	vadd.s32 v63, v1  }
0x2e: {  	v0 =	vmul.u32 s6, v0;
	v1 =	vmul.u32 s5, v1;
	_ =	sdelay $0x1  }
0x2f: {  	v0 =	vadd.s32 v0, v1;
	_ =	sdelay $0x3  }
0x30: {  	s26 =	simm.s32 $0x880;
	s28 =	simm.s32 $0x2  }
0x31: {  	[tilespmem:s26], [sflag:$0x2] =	stream.indirect_vreg.gather [hbm4b:s4+s2], $0x80, v0, vm9, $0xb8;
	[tilespmem:$0x1080] =	vst v63  }
0x32: {  	_ =	swait.ge [sflag:s28], $0x800  }
0x33: {  	s29 =	sadd.s32 $0xBA00, s3;
	s30 =	sshll.u32 s1, $0x8;
	[sflag:s28] =	ssyncset.done $0x0  }
0x34: {  	s31 =	simm.s32 $0x3;
	s3 =	sadd.s32 s29, s30;
	[sflag:s28] =	ssyncadd.s32 $0xFFFFF800  }
0x35: {  	[hbm4b:s3+s2] =	stream.linear.scatter [tilespmem:s26], [sflag:$0x3], $0x800, $0x38;
	[tilespmem:$0x1080] =	vst v63  }
0x36: {  	_ =	swait.ge [sflag:s31], $0x800  }
0x37: {  	[sflag:s31] =	ssyncset.done $0x0  }
0x38: {  	[sflag:s31] =	ssyncadd.s32 $0xFFFFF800  }
.LBB2_2:
0x39: {  	_ =	sfence.sel $0x180000  }
0x3a: {  	[bflag:$0x0] =	sbarrier.arrive $0xFFFF  }
0x3b: {  	p0 =	sne.s32 s1, $0x0;
	_ =	strace $0x90000047  }
0x3c: {  	s0 =	sadd.s32 @!p0 $0x100000, s0;
	[bflag:$0x2] =	sbarrier.arrive $0xFFFF  }
0x3d: {  	[sflag:s0] =	ssyncadd.tile.s32 @!p0 $0x1;
	_ =	shalt  }
.Lfunc_end2:
_tile_overlayer_lowered:
.L_overlay_start_2:
0x3e: {  	(tag) =	ssettag $0x2  }
0x3f: {  	s0 =	rddreg [dreg:$0x0];
	s2 =	stileid.u32  }
0x40: {  	s1 =	rddreg [dreg:$0x1];
	p0 =	sne.s32 s2, $0x0  }
0x41: {  	s3 =	rddreg [dreg:$0x2];
	[bflag:$0x3] =	sbarrier.arrive $0xFFFF;
	s2 =	simm.s32 @!p0 $0x1C03  }
0x42: {  	[timem:s3], [sflag:s2] =	dma.local @!p0 [hbm:s0], s1  }
0x43: {  	s0 =	simm.s32 @!p0 $0x3  }
0x44: {  	_ =	swait.ge @!p0 [sflag:s0], s1  }
0x45: {  	s1 =	ssub.s32 @!p0 $0x0, s1;
	[sflag:s0] =	ssyncset.done @!p0 $0x0  }
0x46: {  	[sflag:s0] =	ssyncadd.s32 @!p0 s1  }
0x47: {  	[bflag:$0x3] =	sbarrier.arrive $0xFFFF  }
0x48: {  	_ =	shalt  }

</sc_bundles>
